<compile_context>
chip_gen: v7x
topology: tpu7x:2x2x1
jax: 0.10.2.dev20260603
libtpu: 0.0.44.dev20260713+nightly
codegen_flags: <defaults>
</compile_context>

<pallas_src>
import functools

import jax
import jax.numpy as jnp
from jax import lax
from jax.experimental import pallas as pl
from jax.experimental.pallas import tpu as pltpu
from jax.experimental.pallas import tpu_sc as plsc

NUM_NODES = 100000
NUM_REL = 500
NUM_ANC = 20000
ANCS = 20
RELCTX = 12
NTOK = ANCS + RELCTX
DIM = 64
B = 16384
REL_OFF = NUM_ANC + 1
IN_DIM = NTOK * DIM

NSLICE = 2
BS = B // NSLICE

_info = plsc.get_sparse_core_info()
NC, NS = _info.num_cores, _info.num_subcores
NW = NC * NS

NODES_PER_W = B // NW
CHUNK = 256
NCHUNKS = BS // NW * NTOK // CHUNK

_mesh = plsc.VectorSubcoreMesh(core_axis_name="c", subcore_axis_name="s")
_sc_params = pltpu.CompilerParams(use_tc_tiling_on_sc=False)


@functools.partial(
    pl.kernel,
    mesh=_mesh,
    compiler_params=_sc_params,
    out_type=jax.ShapeDtypeStruct((NW, NODES_PER_W, NTOK), jnp.int32),
    scratch_types=[
        pltpu.VMEM((NODES_PER_W,), jnp.int32),
        pltpu.VMEM((NODES_PER_W, NTOK), jnp.int32),
        pltpu.SemaphoreType.DMA,
    ],
)
def _gather_tokens(idx_hbm, hashes_hbm, tok_hbm, idx_v, tok_v, sem):
    wid = lax.axis_index("s") * NC + lax.axis_index("c")
    base = wid * NODES_PER_W
    pltpu.sync_copy(idx_hbm.at[pl.ds(base, NODES_PER_W)], idx_v)
    pltpu.async_copy(hashes_hbm.at[idx_v], tok_v, sem).wait()

    lanes = lax.iota(jnp.int32, 16)
    off = jnp.where(lanes >= ANCS - 16, REL_OFF, 0)

    def body(r, _):
        tok_v[r, pl.ds(16, 16)] = tok_v[r, pl.ds(16, 16)] + off
        return 0

    lax.fori_loop(0, NODES_PER_W, body, 0)
    pltpu.sync_copy(tok_v, tok_hbm.at[wid])


@functools.partial(
    pl.kernel,
    mesh=_mesh,
    compiler_params=_sc_params,
    out_type=jax.ShapeDtypeStruct((NW, NCHUNKS, CHUNK, DIM), jnp.bfloat16),
    scratch_types=[
        pltpu.VMEM((NCHUNKS, CHUNK), jnp.int32),
        pltpu.VMEM((4, CHUNK, DIM), jnp.bfloat16),
        pltpu.SemaphoreType.DMA((4,)),
        pltpu.SemaphoreType.DMA((4,)),
    ],
)
def _gather_embs(emb_hbm, tok_hbm, out_hbm, idx_v, buf, gsem, wsem):
    wid = lax.axis_index("s") * NC + lax.axis_index("c")
    pltpu.sync_copy(tok_hbm.at[wid], idx_v)

    def gather(c):
        return pltpu.make_async_copy(
            emb_hbm.at[idx_v.at[c]], buf.at[c % 4], gsem.at[c % 4])

    def write(c):
        return pltpu.make_async_copy(
            buf.at[c % 4], out_hbm.at[wid, c], wsem.at[c % 4])

    gather(0).start()

    def body(c, _):
        nxt = c + 1

        @pl.when(nxt < NCHUNKS)
        def _():
            @pl.when(nxt >= 4)
            def _():
                write(nxt - 4).wait()

            gather(nxt).start()

        gather(c).wait()
        write(c).start()
        return 0

    lax.fori_loop(0, NCHUNKS, body, 0)

    def drain(c, _):
        write(c).wait()
        return 0

    lax.fori_loop(max(0, NCHUNKS - 4), NCHUNKS, drain, 0)


ROWS_BLK = 1024


def _mlp_body(x_ref, w1_ref, b1_ref, w2_ref, b2_ref, out_ref):
    x = x_ref[...].reshape(ROWS_BLK, IN_DIM)
    h = jnp.dot(x, w1_ref[...], preferred_element_type=jnp.float32)
    h = jnp.maximum(h + b1_ref[...], 0.0)
    out_ref[...] = (
        jnp.dot(h, w2_ref[...], preferred_element_type=jnp.float32)
        + b2_ref[...]
    )


def _mlp(x_flat, w1, b1, w2, b2):
    grid = (BS // ROWS_BLK,)
    return pl.pallas_call(
        _mlp_body,
        grid=grid,
        in_specs=[
            pl.BlockSpec((ROWS_BLK * IN_DIM,), lambda i: (i,)),
            pl.BlockSpec((IN_DIM, 2 * DIM), lambda i: (0, 0)),
            pl.BlockSpec((1, 2 * DIM), lambda i: (0, 0)),
            pl.BlockSpec((2 * DIM, DIM), lambda i: (0, 0)),
            pl.BlockSpec((1, DIM), lambda i: (0, 0)),
        ],
        out_specs=pl.BlockSpec((ROWS_BLK, DIM), lambda i: (i, 0)),
        out_shape=jax.ShapeDtypeStruct((BS, DIM), jnp.float32),
    )(x_flat, w1, b1, w2, b2)


def kernel(indices, anchor_hashes, node_hashes, relations, anchor_emb,
           W1, b1, W2, b2):
    hashes = jnp.concatenate([anchor_hashes, node_hashes], axis=1)
    emb = jnp.concatenate([anchor_emb, relations],
                          axis=0).astype(jnp.bfloat16)
    tok = _gather_tokens(indices, hashes)
    w1 = W1.astype(jnp.bfloat16)
    b1r = b1.reshape(1, -1)
    b2r = b2.reshape(1, -1)
    wps = NW // NSLICE
    outs = []
    for s in range(NSLICE):
        tok_s = tok[s * wps:(s + 1) * wps].reshape(NW, NCHUNKS, CHUNK)
        rows = _gather_embs(emb, tok_s)
        x_flat = rows.reshape(BS * IN_DIM)
        outs.append(_mlp(x_flat, w1, b1r, W2, b2r))
    return jnp.concatenate(outs, axis=0)

# --- scband reference (transcript-rebuilt; emitter-appended) ---
"""Pipeline reference for scband-node-piece-encoder-18829136625735 (READ-ONLY COPY).

The authoritative reference and input builder live on the scoring server;
editing this copy changes nothing except your own understanding.
"""

import jax, jax.numpy as jnp
import numpy as np

NUM_NODES = 100000
NUM_REL = 500
NUM_ANC = 20000
ANCS = 20
RELCTX = 12
DIM = 64
B = 16384


def setup_inputs(seed: int = 0) -> dict:
    key = jax.random.key(seed)
    ks = jax.random.split(key, 9)
    indices = jax.random.randint(ks[0], (B,), 0, NUM_NODES, dtype=jnp.int64 if jax.config.jax_enable_x64 else jnp.int32).astype(jnp.int32)
    anchor_hashes = jax.random.randint(ks[1], (NUM_NODES, ANCS), 0, NUM_ANC + 1).astype(jnp.int32)
    node_hashes = jax.random.randint(ks[2], (NUM_NODES, RELCTX), 0, NUM_REL + 1).astype(jnp.int32)
    relations = jax.random.normal(ks[3], (NUM_REL + 1, DIM), dtype=jnp.float32) * 0.02
    anchor_emb = jax.random.normal(ks[4], (NUM_ANC + 1, DIM), dtype=jnp.float32) * 0.02
    in_dim = DIM * (ANCS + RELCTX)
    W1 = jax.random.normal(ks[5], (in_dim, 2 * DIM), dtype=jnp.float32) * (1.0 / np.sqrt(in_dim))
    b1 = jnp.zeros((2 * DIM,), dtype=jnp.float32)
    W2 = jax.random.normal(ks[6], (2 * DIM, DIM), dtype=jnp.float32) * (1.0 / np.sqrt(2 * DIM))
    b2 = jnp.zeros((DIM,), dtype=jnp.float32)
    return {
        'indices': indices,
        'anchor_hashes': anchor_hashes,
        'node_hashes': node_hashes,
        'relations': relations,
        'anchor_emb': anchor_emb,
        'W1': W1,
        'b1': b1,
        'W2': W2,
        'b2': b2,
    }


def reference(indices, anchor_hashes, node_hashes, relations, anchor_emb, W1, b1, W2, b2):
    # NodePieceEncoder forward ('cat' pooler, no GNN):
    # 1) per-node anchor hash gather -> anchor embedding lookup
    anc_tok = jnp.take(anchor_hashes, indices, axis=0)          # [B, ANCS] int
    anc_emb = jnp.take(anchor_emb, anc_tok, axis=0)             # [B, ANCS, DIM]
    # 2) per-node relational context gather -> relation embedding lookup
    rel_tok = jnp.take(node_hashes, indices, axis=0)            # [B, RELCTX] int
    rel_emb = jnp.take(relations, rel_tok, axis=0)              # [B, RELCTX, DIM]
    # 3) concat tokens and encode via set_enc MLP (dropout is identity at eval)
    toks = jnp.concatenate([anc_emb, rel_emb], axis=1)          # [B, ANCS+RELCTX, DIM]
    flat = toks.reshape(toks.shape[0], -1)                      # [B, (ANCS+RELCTX)*DIM]
    h = jax.nn.relu(flat @ W1 + b1)
    out = h @ W2 + b2                                           # [B, DIM]
    return out

if __name__ == "__main__":
    import jax
    _d = setup_inputs()
    print(jax.jit(kernel)(*tuple(_d.values())))

</pallas_src>

<mosaic_0001>
#map = affine_map<(d0, d1) -> (0)>
#map1 = affine_map<(d0, d1) -> (0, 0)>
#map2 = affine_map<(d0, d1) -> (0, 0, 0)>
module attributes {stable_mosaic.version = 14 : i64} {
  func.func @_gather_tokens(%arg0: i32, %arg1: i32, %arg2: memref<16384xi32, #tpu.memory_space<hbm>>, %arg3: memref<100000x32xi32, #tpu.memory_space<hbm>>, %arg4: memref<32x512x32xi32, #tpu.memory_space<hbm>>, %arg5: memref<512xi32, #tpu.memory_space<vmem>>, %arg6: memref<512x32xi32, #tpu.memory_space<vmem>>, %arg7: memref<!tpu.dma_semaphore, #tpu.memory_space<semaphore_mem>>) attributes {dimension_semantics = [#tpu.dimension_semantics<core_parallel>, #tpu.dimension_semantics<subcore_parallel>], iteration_bounds = array<i64: 2, 16>, scalar_prefetch = 0 : i64, scratch_operands = 3 : i64, tpu.core_type = #tpu.core_type<sc_vector_subcore>, window_params = [{transform_indices = #map}, {transform_indices = #map1}, {transform_indices = #map2}]} {
    %mul3A = arith.constant 2 : i32
    %mul3A_0 = arith.muli %arg1, %mul3A : i32
    %add3A = arith.addi %mul3A_0, %arg0 : i32
    %mul3A_1 = arith.constant 512 : i32
    %mul3A_2 = arith.muli %add3A, %mul3A_1 : i32
    "tpu.region"() ({
      %run_scoped3A = tpu.sem_alloc : memref<!tpu.dma_semaphore, #tpu.memory_space<semaphore_mem>>
      %dma_start3A_17 = tpu.memref_slice %arg2[%mul3A_2] : memref<16384xi32, #tpu.memory_space<hbm>> -> memref<512xi32, #tpu.memory_space<hbm>>
      %dma_start3A_18 = tpu.memref_slice %arg2[%mul3A_2] : memref<16384xi32, #tpu.memory_space<hbm>> -> memref<512xi32, #tpu.memory_space<hbm>>
      tpu.enqueue_dma source(%dma_start3A_18 : memref<512xi32, #tpu.memory_space<hbm>>) target(%arg5 : memref<512xi32, #tpu.memory_space<vmem>>) target_semaphore(%run_scoped3A : memref<!tpu.dma_semaphore, #tpu.memory_space<semaphore_mem>>)
      %dma_wait3A_19 = tpu.memref_slice %arg2[%mul3A_2] : memref<16384xi32, #tpu.memory_space<hbm>> -> memref<512xi32, #tpu.memory_space<hbm>>
      %dma_wait3A_20 = tpu.memref_slice %arg2[%mul3A_2] : memref<16384xi32, #tpu.memory_space<hbm>> -> memref<512xi32, #tpu.memory_space<hbm>>
      tpu.wait_dma2 semaphore(%run_scoped3A : memref<!tpu.dma_semaphore, #tpu.memory_space<semaphore_mem>>) src(%dma_wait3A_20 : memref<512xi32, #tpu.memory_space<hbm>>) dst(%arg5 : memref<512xi32, #tpu.memory_space<vmem>>)
      tpu.yield
    }) : () -> ()
    %dma_start3A = arith.constant 0 : i32
    %dma_start3A_3 = arith.constant 0 : i32
    %dma_start3A_4 = tpu.memref_slice %arg3[%dma_start3A, %dma_start3A_3] : memref<100000x32xi32, #tpu.memory_space<hbm>> -> memref<100000x32xi32, #tpu.memory_space<hbm>>
    tpu.enqueue_indirect_dma source(%dma_start3A_4 : memref<100000x32xi32, #tpu.memory_space<hbm>>) target(%arg6 : memref<512x32xi32, #tpu.memory_space<vmem>>) offsets(%arg5 : memref<512xi32, #tpu.memory_space<vmem>>) semaphore(%arg7 : memref<!tpu.dma_semaphore, #tpu.memory_space<semaphore_mem>>)
    %dma_wait3A = arith.constant 0 : i32
    %dma_wait3A_5 = arith.constant 0 : i32
    %dma_wait3A_6 = tpu.memref_slice %arg3[%dma_wait3A, %dma_wait3A_5] : memref<100000x32xi32, #tpu.memory_space<hbm>> -> memref<100000x32xi32, #tpu.memory_space<hbm>>
    tpu.wait_indirect_dma semaphore(%arg7 : memref<!tpu.dma_semaphore, #tpu.memory_space<semaphore_mem>>) src(%dma_wait3A_6 : memref<100000x32xi32, #tpu.memory_space<hbm>>) dst(%arg6 : memref<512x32xi32, #tpu.memory_space<vmem>>)
    %iota3A = tpu.iota {dimensions = array<i32: 0>} : vector<16xi32>
    %ge3A = arith.constant 4 : i32
    %ge3A_7 = vector.broadcast %ge3A : i32 to vector<16xi32>
    %ge3A_8 = arith.cmpi sge, %iota3A, %ge3A_7 : vector<16xi32>
    %jit3A = arith.constant 20001 : i32
    %jit3A_9 = arith.constant 0 : i32
    %broadcast_in_dim3A = vector.broadcast %jit3A : i32 to vector<16xi32>
    %broadcast_in_dim3A_10 = vector.broadcast %jit3A_9 : i32 to vector<16xi32>
    %select_n3A = arith.select %ge3A_8, %broadcast_in_dim3A, %broadcast_in_dim3A_10 : vector<16xi1>, vector<16xi32>
    %scan3A = arith.constant 0 : i32
    %scan3A_11 = arith.constant 0 : i32
    %scan3A_12 = arith.constant 512 : i32
    %scan3A_13 = arith.addi %scan3A_11, %scan3A_12 : i32
    %scan3A_14 = arith.constant 1 : i32
    %scan3A_15 = scf.for %scan3A_17 = %scan3A_11 to %scan3A_13 step %scan3A_14 iter_args(%scan3A_18 = %scan3A) -> (i32)  : i32 {
      %get3A = arith.index_cast %scan3A_17 : i32 to index
      %get3A_19 = arith.constant 16 : index
      %get3A_20 = tpu.vector_load %arg6[%get3A, %get3A_19] {strides = array<i32>} : memref<512x32xi32, #tpu.memory_space<vmem>>, vector<1x16xi32>,
      %get3A_21 = vector.shape_cast %get3A_20 : vector<1x16xi32> to vector<16xi32>
      %add3A_22 = arith.addi %get3A_21, %select_n3A : vector<16xi32>
      %swap3A = arith.index_cast %scan3A_17 : i32 to index
      %swap3A_23 = arith.constant 16 : index
      %swap3A_24 = tpu.vector_load %arg6[%swap3A, %swap3A_23] {strides = array<i32>} : memref<512x32xi32, #tpu.memory_space<vmem>>, vector<1x16xi32>,
      %swap3A_25 = vector.shape_cast %swap3A_24 : vector<1x16xi32> to vector<16xi32>
      %swap3A_26 = vector.shape_cast %add3A_22 : vector<16xi32> to vector<1x16xi32>
      tpu.vector_store %arg6[%swap3A, %swap3A_23], %swap3A_26 {strides = array<i32>} : memref<512x32xi32, #tpu.memory_space<vmem>>, vector<1x16xi32>,
      %scan3A_27 = arith.constant 0 : i32
      scf.yield %scan3A_27 : i32
    }
    %scan3A_16 = arith.constant 512 : i32
    "tpu.region"() ({
      %run_scoped3A = tpu.sem_alloc : memref<!tpu.dma_semaphore, #tpu.memory_space<semaphore_mem>>
      %dma_start3A_17 = arith.constant 0 : i32
      %dma_start3A_18 = arith.constant 0 : i32
      %dma_start3A_19 = tpu.memref_slice %arg4[%add3A, %dma_start3A_17, %dma_start3A_18] : memref<32x512x32xi32, #tpu.memory_space<hbm>> -> memref<1x512x32xi32, #tpu.memory_space<hbm>>
      %dma_start3A_20 = tpu.memref_squeeze %dma_start3A_19 : memref<1x512x32xi32, #tpu.memory_space<hbm>> -> memref<512x32xi32, #tpu.memory_space<hbm>>
      %dma_start3A_21 = arith.constant 0 : i32
      %dma_start3A_22 = arith.constant 0 : i32
      %dma_start3A_23 = tpu.memref_slice %arg4[%add3A, %dma_start3A_21, %dma_start3A_22] : memref<32x512x32xi32, #tpu.memory_space<hbm>> -> memref<1x512x32xi32, #tpu.memory_space<hbm>>
      %dma_start3A_24 = tpu.memref_squeeze %dma_start3A_23 : memref<1x512x32xi32, #tpu.memory_space<hbm>> -> memref<512x32xi32, #tpu.memory_space<hbm>>
      tpu.enqueue_dma source(%arg6 : memref<512x32xi32, #tpu.memory_space<vmem>>) target(%dma_start3A_24 : memref<512x32xi32, #tpu.memory_space<hbm>>) target_semaphore(%run_scoped3A : memref<!tpu.dma_semaphore, #tpu.memory_space<semaphore_mem>>)
      %dma_wait3A_25 = arith.constant 0 : i32
      %dma_wait3A_26 = arith.constant 0 : i32
      %dma_wait3A_27 = tpu.memref_slice %arg4[%add3A, %dma_wait3A_25, %dma_wait3A_26] : memref<32x512x32xi32, #tpu.memory_space<hbm>> -> memref<1x512x32xi32, #tpu.memory_space<hbm>>
      %dma_wait3A_28 = tpu.memref_squeeze %dma_wait3A_27 : memref<1x512x32xi32, #tpu.memory_space<hbm>> -> memref<512x32xi32, #tpu.memory_space<hbm>>
      %dma_wait3A_29 = arith.constant 0 : i32
      %dma_wait3A_30 = arith.constant 0 : i32
      %dma_wait3A_31 = tpu.memref_slice %arg4[%add3A, %dma_wait3A_29, %dma_wait3A_30] : memref<32x512x32xi32, #tpu.memory_space<hbm>> -> memref<1x512x32xi32, #tpu.memory_space<hbm>>
      %dma_wait3A_32 = tpu.memref_squeeze %dma_wait3A_31 : memref<1x512x32xi32, #tpu.memory_space<hbm>> -> memref<512x32xi32, #tpu.memory_space<hbm>>
      tpu.wait_dma2 semaphore(%run_scoped3A : memref<!tpu.dma_semaphore, #tpu.memory_space<semaphore_mem>>) src(%arg6 : memref<512x32xi32, #tpu.memory_space<vmem>>) dst(%dma_wait3A_32 : memref<512x32xi32, #tpu.memory_space<hbm>>)
      tpu.yield
    }) : () -> ()
    return
  }
}

#map = affine_map<(d0, d1) -> (0, 0)>
#map1 = affine_map<(d0, d1) -> (0, 0, 0)>
#map2 = affine_map<(d0, d1) -> (0, 0, 0, 0)>
module attributes {stable_mosaic.version = 14 : i64} {
  func.func @_gather_embs(%arg0: i32, %arg1: i32, %arg2: memref<20502x64xbf16, #tpu.memory_space<hbm>>, %arg3: memref<32x32x256xi32, #tpu.memory_space<hbm>>, %arg4: memref<32x32x256x64xbf16, #tpu.memory_space<hbm>>, %arg5: memref<32x256xi32, #tpu.memory_space<vmem>>, %arg6: memref<4x256x64xbf16, #tpu.memory_space<vmem>>, %arg7: memref<4x!tpu.dma_semaphore, #tpu.memory_space<semaphore_mem>>, %arg8: memref<4x!tpu.dma_semaphore, #tpu.memory_space<semaphore_mem>>) attributes {dimension_semantics = [#tpu.dimension_semantics<core_parallel>, #tpu.dimension_semantics<subcore_parallel>], iteration_bounds = array<i64: 2, 16>, scalar_prefetch = 0 : i64, scratch_operands = 4 : i64, tpu.core_type = #tpu.core_type<sc_vector_subcore>, window_params = [{transform_indices = #map}, {transform_indices = #map1}, {transform_indices = #map2}]} {
    %mul3A = arith.constant 2 : i32
    %mul3A_0 = arith.muli %arg1, %mul3A : i32
    %add3A = arith.addi %mul3A_0, %arg0 : i32
    "tpu.region"() ({
      %run_scoped3A = tpu.sem_alloc : memref<!tpu.dma_semaphore, #tpu.memory_space<semaphore_mem>>
      %dma_start3A_28 = arith.constant 0 : i32
      %dma_start3A_29 = arith.constant 0 : i32
      %dma_start3A_30 = tpu.memref_slice %arg3[%add3A, %dma_start3A_28, %dma_start3A_29] : memref<32x32x256xi32, #tpu.memory_space<hbm>> -> memref<1x32x256xi32, #tpu.memory_space<hbm>>
      %dma_start3A_31 = tpu.memref_squeeze %dma_start3A_30 : memref<1x32x256xi32, #tpu.memory_space<hbm>> -> memref<32x256xi32, #tpu.memory_space<hbm>>
      %dma_start3A_32 = arith.constant 0 : i32
      %dma_start3A_33 = arith.constant 0 : i32
      %dma_start3A_34 = tpu.memref_slice %arg3[%add3A, %dma_start3A_32, %dma_start3A_33] : memref<32x32x256xi32, #tpu.memory_space<hbm>> -> memref<1x32x256xi32, #tpu.memory_space<hbm>>
      %dma_start3A_35 = tpu.memref_squeeze %dma_start3A_34 : memref<1x32x256xi32, #tpu.memory_space<hbm>> -> memref<32x256xi32, #tpu.memory_space<hbm>>
      tpu.enqueue_dma source(%dma_start3A_35 : memref<32x256xi32, #tpu.memory_space<hbm>>) target(%arg5 : memref<32x256xi32, #tpu.memory_space<vmem>>) target_semaphore(%run_scoped3A : memref<!tpu.dma_semaphore, #tpu.memory_space<semaphore_mem>>)
      %dma_wait3A = arith.constant 0 : i32
      %dma_wait3A_36 = arith.constant 0 : i32
      %dma_wait3A_37 = tpu.memref_slice %arg3[%add3A, %dma_wait3A, %dma_wait3A_36] : memref<32x32x256xi32, #tpu.memory_space<hbm>> -> memref<1x32x256xi32, #tpu.memory_space<hbm>>
      %dma_wait3A_38 = tpu.memref_squeeze %dma_wait3A_37 : memref<1x32x256xi32, #tpu.memory_space<hbm>> -> memref<32x256xi32, #tpu.memory_space<hbm>>
      %dma_wait3A_39 = arith.constant 0 : i32
      %dma_wait3A_40 = arith.constant 0 : i32
      %dma_wait3A_41 = tpu.memref_slice %arg3[%add3A, %dma_wait3A_39, %dma_wait3A_40] : memref<32x32x256xi32, #tpu.memory_space<hbm>> -> memref<1x32x256xi32, #tpu.memory_space<hbm>>
      %dma_wait3A_42 = tpu.memref_squeeze %dma_wait3A_41 : memref<1x32x256xi32, #tpu.memory_space<hbm>> -> memref<32x256xi32, #tpu.memory_space<hbm>>
      tpu.wait_dma2 semaphore(%run_scoped3A : memref<!tpu.dma_semaphore, #tpu.memory_space<semaphore_mem>>) src(%dma_wait3A_42 : memref<32x256xi32, #tpu.memory_space<hbm>>) dst(%arg5 : memref<32x256xi32, #tpu.memory_space<vmem>>)
      tpu.yield
    }) : () -> ()
    %dma_start3A = arith.constant 0 : i32
    %dma_start3A_1 = arith.constant 0 : i32
    %dma_start3A_2 = arith.constant 0 : i32
    %dma_start3A_3 = arith.constant 0 : i32
    %dma_start3A_4 = arith.constant 0 : i32
    %dma_start3A_5 = tpu.memref_slice %arg6[%dma_start3A_1, %dma_start3A_3, %dma_start3A_4] : memref<4x256x64xbf16, #tpu.memory_space<vmem>> -> memref<1x256x64xbf16, #tpu.memory_space<vmem>>
    %dma_start3A_6 = tpu.memref_squeeze %dma_start3A_5 : memref<1x256x64xbf16, #tpu.memory_space<vmem>> -> memref<256x64xbf16, #tpu.memory_space<vmem>>
    %dma_start3A_7 = arith.constant 0 : i32
    %dma_start3A_8 = tpu.memref_slice %arg5[%dma_start3A, %dma_start3A_7] : memref<32x256xi32, #tpu.memory_space<vmem>> -> memref<1x256xi32, #tpu.memory_space<vmem>>
    %dma_start3A_9 = tpu.memref_squeeze %dma_start3A_8 : memref<1x256xi32, #tpu.memory_space<vmem>> -> memref<256xi32, #tpu.memory_space<vmem>>
    %dma_start3A_10 = arith.constant 0 : i32
    %dma_start3A_11 = arith.constant 0 : i32
    %dma_start3A_12 = tpu.memref_slice %arg2[%dma_start3A_10, %dma_start3A_11] : memref<20502x64xbf16, #tpu.memory_space<hbm>> -> memref<20502x64xbf16, #tpu.memory_space<hbm>>
    %dma_start3A_13 = tpu.memref_slice %arg7[%dma_start3A_2] : memref<4x!tpu.dma_semaphore, #tpu.memory_space<semaphore_mem>> -> memref<1x!tpu.dma_semaphore, #tpu.memory_space<semaphore_mem>>
    %dma_start3A_14 = tpu.memref_squeeze %dma_start3A_13 : memref<1x!tpu.dma_semaphore, #tpu.memory_space<semaphore_mem>> -> memref<!tpu.dma_semaphore, #tpu.memory_space<semaphore_mem>>
    tpu.enqueue_indirect_dma source(%dma_start3A_12 : memref<20502x64xbf16, #tpu.memory_space<hbm>>) target(%dma_start3A_6 : memref<256x64xbf16, #tpu.memory_space<vmem>>) offsets(%dma_start3A_9 : memref<256xi32, #tpu.memory_space<vmem>>) semaphore(%dma_start3A_14 : memref<!tpu.dma_semaphore, #tpu.memory_space<semaphore_mem>>)
    %scan3A = arith.constant 0 : i32
    %scan3A_15 = arith.constant 0 : i32
    %scan3A_16 = arith.constant 32 : i32
    %scan3A_17 = arith.addi %scan3A_15, %scan3A_16 : i32
    %scan3A_18 = arith.constant 1 : i32
    %scan3A_19 = scf.for %scan3A_28 = %scan3A_15 to %scan3A_17 step %scan3A_18 iter_args(%scan3A_29 = %scan3A) -> (i32)  : i32 {
      %add3A_30 = arith.constant 1 : i32
      %add3A_31 = arith.addi %scan3A_28, %add3A_30 : i32
      %lt3A = arith.constant 32 : i32
      %lt3A_32 = arith.cmpi slt, %add3A_31, %lt3A : i32
      %convert_element_type3A = arith.extui %lt3A_32 : i1 to i32
      %cond3A = arith.constant 0 : i32
      %cond3A_33 = arith.cmpi ne, %convert_element_type3A, %cond3A : i32
      scf.if %cond3A_33 {
        %ge3A = arith.constant 4 : i32
        %ge3A_122 = arith.cmpi sge, %add3A_31, %ge3A : i32
        %convert_element_type3A_123 = arith.extui %ge3A_122 : i1 to i32
        %cond3A_124 = arith.constant 0 : i32
        %cond3A_125 = arith.cmpi ne, %convert_element_type3A_123, %cond3A_124 : i32
        scf.if %cond3A_125 {
          %sub3A = arith.constant 4 : i32
          %sub3A_170 = arith.subi %add3A_31, %sub3A : i32
          %jit3A_171 = arith.constant 4 : i32
          %eq3A_172 = arith.constant 0 : i32
          %eq3A_173 = arith.cmpi eq, %jit3A_171, %eq3A_172 : i32
          %jit3A_174 = arith.constant 1 : i32
          %select_n3A_175 = arith.select %eq3A_173, %jit3A_174, %jit3A_171 : i32
          %rem3A_176 = arith.remsi %sub3A_170, %select_n3A_175 : i32
          %ne3A_177 = arith.constant 0 : i32
          %ne3A_178 = arith.cmpi ne, %rem3A_176, %ne3A_177 : i32
          %lt3A_179 = arith.constant 0 : i32
          %lt3A_180 = arith.cmpi slt, %rem3A_176, %lt3A_179 : i32
          %lt3A_181 = arith.constant 0 : i32
          %lt3A_182 = arith.cmpi slt, %select_n3A_175, %lt3A_181 : i32
          %ne3A_183 = arith.xori %lt3A_180, %lt3A_182 : i1
          %and3A_184 = arith.andi %ne3A_183, %ne3A_178 : i1
          %add3A_185 = arith.addi %rem3A_176, %select_n3A_175 : i32
          %select_n3A_186 = arith.select %and3A_184, %add3A_185, %rem3A_176 : i32
          %jit3A_187 = arith.constant 4 : i32
          %eq3A_188 = arith.constant 0 : i32
          %eq3A_189 = arith.cmpi eq, %jit3A_187, %eq3A_188 : i32
          %jit3A_190 = arith.constant 1 : i32
          %select_n3A_191 = arith.select %eq3A_189, %jit3A_190, %jit3A_187 : i32
          %rem3A_192 = arith.remsi %sub3A_170, %select_n3A_191 : i32
          %ne3A_193 = arith.constant 0 : i32
          %ne3A_194 = arith.cmpi ne, %rem3A_192, %ne3A_193 : i32
          %lt3A_195 = arith.constant 0 : i32
          %lt3A_196 = arith.cmpi slt, %rem3A_192, %lt3A_195 : i32
          %lt3A_197 = arith.constant 0 : i32
          %lt3A_198 = arith.cmpi slt, %select_n3A_191, %lt3A_197 : i32
          %ne3A_199 = arith.xori %lt3A_196, %lt3A_198 : i1
          %and3A_200 = arith.andi %ne3A_199, %ne3A_194 : i1
          %add3A_201 = arith.addi %rem3A_192, %select_n3A_191 : i32
          %select_n3A_202 = arith.select %and3A_200, %add3A_201, %rem3A_192 : i32
          %dma_wait3A_203 = arith.constant 0 : i32
          %dma_wait3A_204 = arith.constant 0 : i32
          %dma_wait3A_205 = tpu.memref_slice %arg6[%select_n3A_186, %dma_wait3A_203, %dma_wait3A_204] : memref<4x256x64xbf16, #tpu.memory_space<vmem>> -> memref<1x256x64xbf16, #tpu.memory_space<vmem>>
          %dma_wait3A_206 = tpu.memref_squeeze %dma_wait3A_205 : memref<1x256x64xbf16, #tpu.memory_space<vmem>> -> memref<256x64xbf16, #tpu.memory_space<vmem>>
          %dma_wait3A_207 = arith.constant 0 : i32
          %dma_wait3A_208 = arith.constant 0 : i32
          %dma_wait3A_209 = tpu.memref_slice %arg4[%add3A, %sub3A_170, %dma_wait3A_207, %dma_wait3A_208] : memref<32x32x256x64xbf16, #tpu.memory_space<hbm>> -> memref<1x1x256x64xbf16, #tpu.memory_space<hbm>>
          %dma_wait3A_210 = tpu.memref_squeeze %dma_wait3A_209 : memref<1x1x256x64xbf16, #tpu.memory_space<hbm>> -> memref<256x64xbf16, #tpu.memory_space<hbm>>
          %dma_wait3A_211 = tpu.memref_slice %arg8[%select_n3A_202] : memref<4x!tpu.dma_semaphore, #tpu.memory_space<semaphore_mem>> -> memref<1x!tpu.dma_semaphore, #tpu.memory_space<semaphore_mem>>
          %dma_wait3A_212 = tpu.memref_squeeze %dma_wait3A_211 : memref<1x!tpu.dma_semaphore, #tpu.memory_space<semaphore_mem>> -> memref<!tpu.dma_semaphore, #tpu.memory_space<semaphore_mem>>
          %dma_wait3A_213 = arith.constant 0 : i32
          %dma_wait3A_214 = arith.constant 0 : i32
          %dma_wait3A_215 = tpu.memref_slice %arg4[%add3A, %sub3A_170, %dma_wait3A_213, %dma_wait3A_214] : memref<32x32x256x64xbf16, #tpu.memory_space<hbm>> -> memref<1x1x256x64xbf16, #tpu.memory_space<hbm>>
          %dma_wait3A_216 = tpu.memref_squeeze %dma_wait3A_215 : memref<1x1x256x64xbf16, #tpu.memory_space<hbm>> -> memref<256x64xbf16, #tpu.memory_space<hbm>>
          %dma_wait3A_217 = arith.constant 0 : i32
          %dma_wait3A_218 = arith.constant 0 : i32
          %dma_wait3A_219 = tpu.memref_slice %arg6[%select_n3A_186, %dma_wait3A_217, %dma_wait3A_218] : memref<4x256x64xbf16, #tpu.memory_space<vmem>> -> memref<1x256x64xbf16, #tpu.memory_space<vmem>>
          %dma_wait3A_220 = tpu.memref_squeeze %dma_wait3A_219 : memref<1x256x64xbf16, #tpu.memory_space<vmem>> -> memref<256x64xbf16, #tpu.memory_space<vmem>>
          tpu.wait_dma2 semaphore(%dma_wait3A_212 : memref<!tpu.dma_semaphore, #tpu.memory_space<semaphore_mem>>) src(%dma_wait3A_220 : memref<256x64xbf16, #tpu.memory_space<vmem>>) dst(%dma_wait3A_216 : memref<256x64xbf16, #tpu.memory_space<hbm>>)
        } else {
        }
        %jit3A_126 = arith.constant 4 : i32
        %eq3A_127 = arith.constant 0 : i32
        %eq3A_128 = arith.cmpi eq, %jit3A_126, %eq3A_127 : i32
        %jit3A_129 = arith.constant 1 : i32
        %select_n3A_130 = arith.select %eq3A_128, %jit3A_129, %jit3A_126 : i32
        %rem3A_131 = arith.remsi %add3A_31, %select_n3A_130 : i32
        %ne3A_132 = arith.constant 0 : i32
        %ne3A_133 = arith.cmpi ne, %rem3A_131, %ne3A_132 : i32
        %lt3A_134 = arith.constant 0 : i32
        %lt3A_135 = arith.cmpi slt, %rem3A_131, %lt3A_134 : i32
        %lt3A_136 = arith.constant 0 : i32
        %lt3A_137 = arith.cmpi slt, %select_n3A_130, %lt3A_136 : i32
        %ne3A_138 = arith.xori %lt3A_135, %lt3A_137 : i1
        %and3A_139 = arith.andi %ne3A_138, %ne3A_133 : i1
        %add3A_140 = arith.addi %rem3A_131, %select_n3A_130 : i32
        %select_n3A_141 = arith.select %and3A_139, %add3A_140, %rem3A_131 : i32
        %jit3A_142 = arith.constant 4 : i32
        %eq3A_143 = arith.constant 0 : i32
        %eq3A_144 = arith.cmpi eq, %jit3A_142, %eq3A_143 : i32
        %jit3A_145 = arith.constant 1 : i32
        %select_n3A_146 = arith.select %eq3A_144, %jit3A_145, %jit3A_142 : i32
        %rem3A_147 = arith.remsi %add3A_31, %select_n3A_146 : i32
        %ne3A_148 = arith.constant 0 : i32
        %ne3A_149 = arith.cmpi ne, %rem3A_147, %ne3A_148 : i32
        %lt3A_150 = arith.constant 0 : i32
        %lt3A_151 = arith.cmpi slt, %rem3A_147, %lt3A_150 : i32
        %lt3A_152 = arith.constant 0 : i32
        %lt3A_153 = arith.cmpi slt, %select_n3A_146, %lt3A_152 : i32
        %ne3A_154 = arith.xori %lt3A_151, %lt3A_153 : i1
        %and3A_155 = arith.andi %ne3A_154, %ne3A_149 : i1
        %add3A_156 = arith.addi %rem3A_147, %select_n3A_146 : i32
        %select_n3A_157 = arith.select %and3A_155, %add3A_156, %rem3A_147 : i32
        %dma_start3A_158 = arith.constant 0 : i32
        %dma_start3A_159 = arith.constant 0 : i32
        %dma_start3A_160 = tpu.memref_slice %arg6[%select_n3A_141, %dma_start3A_158, %dma_start3A_159] : memref<4x256x64xbf16, #tpu.memory_space<vmem>> -> memref<1x256x64xbf16, #tpu.memory_space<vmem>>
        %dma_start3A_161 = tpu.memref_squeeze %dma_start3A_160 : memref<1x256x64xbf16, #tpu.memory_space<vmem>> -> memref<256x64xbf16, #tpu.memory_space<vmem>>
        %dma_start3A_162 = arith.constant 0 : i32
        %dma_start3A_163 = tpu.memref_slice %arg5[%add3A_31, %dma_start3A_162] : memref<32x256xi32, #tpu.memory_space<vmem>> -> memref<1x256xi32, #tpu.memory_space<vmem>>
        %dma_start3A_164 = tpu.memref_squeeze %dma_start3A_163 : memref<1x256xi32, #tpu.memory_space<vmem>> -> memref<256xi32, #tpu.memory_space<vmem>>
        %dma_start3A_165 = arith.constant 0 : i32
        %dma_start3A_166 = arith.constant 0 : i32
        %dma_start3A_167 = tpu.memref_slice %arg2[%dma_start3A_165, %dma_start3A_166] : memref<20502x64xbf16, #tpu.memory_space<hbm>> -> memref<20502x64xbf16, #tpu.memory_space<hbm>>
        %dma_start3A_168 = tpu.memref_slice %arg7[%select_n3A_157] : memref<4x!tpu.dma_semaphore, #tpu.memory_space<semaphore_mem>> -> memref<1x!tpu.dma_semaphore, #tpu.memory_space<semaphore_mem>>
        %dma_start3A_169 = tpu.memref_squeeze %dma_start3A_168 : memref<1x!tpu.dma_semaphore, #tpu.memory_space<semaphore_mem>> -> memref<!tpu.dma_semaphore, #tpu.memory_space<semaphore_mem>>
        tpu.enqueue_indirect_dma source(%dma_start3A_167 : memref<20502x64xbf16, #tpu.memory_space<hbm>>) target(%dma_start3A_161 : memref<256x64xbf16, #tpu.memory_space<vmem>>) offsets(%dma_start3A_164 : memref<256xi32, #tpu.memory_space<vmem>>) semaphore(%dma_start3A_169 : memref<!tpu.dma_semaphore, #tpu.memory_space<semaphore_mem>>)
      } else {
      }
      %jit3A = arith.constant 4 : i32
      %eq3A = arith.constant 0 : i32
      %eq3A_34 = arith.cmpi eq, %jit3A, %eq3A : i32
      %jit3A_35 = arith.constant 1 : i32
      %select_n3A = arith.select %eq3A_34, %jit3A_35, %jit3A : i32
      %rem3A = arith.remsi %scan3A_28, %select_n3A : i32
      %ne3A = arith.constant 0 : i32
      %ne3A_36 = arith.cmpi ne, %rem3A, %ne3A : i32
      %lt3A_37 = arith.constant 0 : i32
      %lt3A_38 = arith.cmpi slt, %rem3A, %lt3A_37 : i32
      %lt3A_39 = arith.constant 0 : i32
      %lt3A_40 = arith.cmpi slt, %select_n3A, %lt3A_39 : i32
      %ne3A_41 = arith.xori %lt3A_38, %lt3A_40 : i1
      %and3A = arith.andi %ne3A_41, %ne3A_36 : i1
      %add3A_42 = arith.addi %rem3A, %select_n3A : i32
      %select_n3A_43 = arith.select %and3A, %add3A_42, %rem3A : i32
      %jit3A_44 = arith.constant 4 : i32
      %eq3A_45 = arith.constant 0 : i32
      %eq3A_46 = arith.cmpi eq, %jit3A_44, %eq3A_45 : i32
      %jit3A_47 = arith.constant 1 : i32
      %select_n3A_48 = arith.select %eq3A_46, %jit3A_47, %jit3A_44 : i32
      %rem3A_49 = arith.remsi %scan3A_28, %select_n3A_48 : i32
      %ne3A_50 = arith.constant 0 : i32
      %ne3A_51 = arith.cmpi ne, %rem3A_49, %ne3A_50 : i32
      %lt3A_52 = arith.constant 0 : i32
      %lt3A_53 = arith.cmpi slt, %rem3A_49, %lt3A_52 : i32
      %lt3A_54 = arith.constant 0 : i32
      %lt3A_55 = arith.cmpi slt, %select_n3A_48, %lt3A_54 : i32
      %ne3A_56 = arith.xori %lt3A_53, %lt3A_55 : i1
      %and3A_57 = arith.andi %ne3A_56, %ne3A_51 : i1
      %add3A_58 = arith.addi %rem3A_49, %select_n3A_48 : i32
      %select_n3A_59 = arith.select %and3A_57, %add3A_58, %rem3A_49 : i32
      %dma_wait3A = arith.constant 0 : i32
      %dma_wait3A_60 = arith.constant 0 : i32
      %dma_wait3A_61 = tpu.memref_slice %arg6[%select_n3A_43, %dma_wait3A, %dma_wait3A_60] : memref<4x256x64xbf16, #tpu.memory_space<vmem>> -> memref<1x256x64xbf16, #tpu.memory_space<vmem>>
      %dma_wait3A_62 = tpu.memref_squeeze %dma_wait3A_61 : memref<1x256x64xbf16, #tpu.memory_space<vmem>> -> memref<256x64xbf16, #tpu.memory_space<vmem>>
      %dma_wait3A_63 = arith.constant 0 : i32
      %dma_wait3A_64 = tpu.memref_slice %arg5[%scan3A_28, %dma_wait3A_63] : memref<32x256xi32, #tpu.memory_space<vmem>> -> memref<1x256xi32, #tpu.memory_space<vmem>>
      %dma_wait3A_65 = tpu.memref_squeeze %dma_wait3A_64 : memref<1x256xi32, #tpu.memory_space<vmem>> -> memref<256xi32, #tpu.memory_space<vmem>>
      %dma_wait3A_66 = arith.constant 0 : i32
      %dma_wait3A_67 = arith.constant 0 : i32
      %dma_wait3A_68 = tpu.memref_slice %arg2[%dma_wait3A_66, %dma_wait3A_67] : memref<20502x64xbf16, #tpu.memory_space<hbm>> -> memref<20502x64xbf16, #tpu.memory_space<hbm>>
      %dma_wait3A_69 = tpu.memref_slice %arg7[%select_n3A_59] : memref<4x!tpu.dma_semaphore, #tpu.memory_space<semaphore_mem>> -> memref<1x!tpu.dma_semaphore, #tpu.memory_space<semaphore_mem>>
      %dma_wait3A_70 = tpu.memref_squeeze %dma_wait3A_69 : memref<1x!tpu.dma_semaphore, #tpu.memory_space<semaphore_mem>> -> memref<!tpu.dma_semaphore, #tpu.memory_space<semaphore_mem>>
      tpu.wait_indirect_dma semaphore(%dma_wait3A_70 : memref<!tpu.dma_semaphore, #tpu.memory_space<semaphore_mem>>) src(%dma_wait3A_68 : memref<20502x64xbf16, #tpu.memory_space<hbm>>) dst(%dma_wait3A_62 : memref<256x64xbf16, #tpu.memory_space<vmem>>)
      %jit3A_71 = arith.constant 4 : i32
      %eq3A_72 = arith.constant 0 : i32
      %eq3A_73 = arith.cmpi eq, %jit3A_71, %eq3A_72 : i32
      %jit3A_74 = arith.constant 1 : i32
      %select_n3A_75 = arith.select %eq3A_73, %jit3A_74, %jit3A_71 : i32
      %rem3A_76 = arith.remsi %scan3A_28, %select_n3A_75 : i32
      %ne3A_77 = arith.constant 0 : i32
      %ne3A_78 = arith.cmpi ne, %rem3A_76, %ne3A_77 : i32
      %lt3A_79 = arith.constant 0 : i32
      %lt3A_80 = arith.cmpi slt, %rem3A_76, %lt3A_79 : i32
      %lt3A_81 = arith.constant 0 : i32
      %lt3A_82 = arith.cmpi slt, %select_n3A_75, %lt3A_81 : i32
      %ne3A_83 = arith.xori %lt3A_80, %lt3A_82 : i1
      %and3A_84 = arith.andi %ne3A_83, %ne3A_78 : i1
      %add3A_85 = arith.addi %rem3A_76, %select_n3A_75 : i32
      %select_n3A_86 = arith.select %and3A_84, %add3A_85, %rem3A_76 : i32
      %jit3A_87 = arith.constant 4 : i32
      %eq3A_88 = arith.constant 0 : i32
      %eq3A_89 = arith.cmpi eq, %jit3A_87, %eq3A_88 : i32
      %jit3A_90 = arith.constant 1 : i32
      %select_n3A_91 = arith.select %eq3A_89, %jit3A_90, %jit3A_87 : i32
      %rem3A_92 = arith.remsi %scan3A_28, %select_n3A_91 : i32
      %ne3A_93 = arith.constant 0 : i32
      %ne3A_94 = arith.cmpi ne, %rem3A_92, %ne3A_93 : i32
      %lt3A_95 = arith.constant 0 : i32
      %lt3A_96 = arith.cmpi slt, %rem3A_92, %lt3A_95 : i32
      %lt3A_97 = arith.constant 0 : i32
      %lt3A_98 = arith.cmpi slt, %select_n3A_91, %lt3A_97 : i32
      %ne3A_99 = arith.xori %lt3A_96, %lt3A_98 : i1
      %and3A_100 = arith.andi %ne3A_99, %ne3A_94 : i1
      %add3A_101 = arith.addi %rem3A_92, %select_n3A_91 : i32
      %select_n3A_102 = arith.select %and3A_100, %add3A_101, %rem3A_92 : i32
      %dma_start3A_103 = arith.constant 0 : i32
      %dma_start3A_104 = arith.constant 0 : i32
      %dma_start3A_105 = tpu.memref_slice %arg6[%select_n3A_86, %dma_start3A_103, %dma_start3A_104] : memref<4x256x64xbf16, #tpu.memory_space<vmem>> -> memref<1x256x64xbf16, #tpu.memory_space<vmem>>
      %dma_start3A_106 = tpu.memref_squeeze %dma_start3A_105 : memref<1x256x64xbf16, #tpu.memory_space<vmem>> -> memref<256x64xbf16, #tpu.memory_space<vmem>>
      %dma_start3A_107 = arith.constant 0 : i32
      %dma_start3A_108 = arith.constant 0 : i32
      %dma_start3A_109 = tpu.memref_slice %arg4[%add3A, %scan3A_28, %dma_start3A_107, %dma_start3A_108] : memref<32x32x256x64xbf16, #tpu.memory_space<hbm>> -> memref<1x1x256x64xbf16, #tpu.memory_space<hbm>>
      %dma_start3A_110 = tpu.memref_squeeze %dma_start3A_109 : memref<1x1x256x64xbf16, #tpu.memory_space<hbm>> -> memref<256x64xbf16, #tpu.memory_space<hbm>>
      %dma_start3A_111 = tpu.memref_slice %arg8[%select_n3A_102] : memref<4x!tpu.dma_semaphore, #tpu.memory_space<semaphore_mem>> -> memref<1x!tpu.dma_semaphore, #tpu.memory_space<semaphore_mem>>
      %dma_start3A_112 = tpu.memref_squeeze %dma_start3A_111 : memref<1x!tpu.dma_semaphore, #tpu.memory_space<semaphore_mem>> -> memref<!tpu.dma_semaphore, #tpu.memory_space<semaphore_mem>>
      %dma_start3A_113 = arith.constant 0 : i32
      %dma_start3A_114 = arith.constant 0 : i32
      %dma_start3A_115 = tpu.memref_slice %arg4[%add3A, %scan3A_28, %dma_start3A_113, %dma_start3A_114] : memref<32x32x256x64xbf16, #tpu.memory_space<hbm>> -> memref<1x1x256x64xbf16, #tpu.memory_space<hbm>>
      %dma_start3A_116 = tpu.memref_squeeze %dma_start3A_115 : memref<1x1x256x64xbf16, #tpu.memory_space<hbm>> -> memref<256x64xbf16, #tpu.memory_space<hbm>>
      %dma_start3A_117 = arith.constant 0 : i32
      %dma_start3A_118 = arith.constant 0 : i32
      %dma_start3A_119 = tpu.memref_slice %arg6[%select_n3A_86, %dma_start3A_117, %dma_start3A_118] : memref<4x256x64xbf16, #tpu.memory_space<vmem>> -> memref<1x256x64xbf16, #tpu.memory_space<vmem>>
      %dma_start3A_120 = tpu.memref_squeeze %dma_start3A_119 : memref<1x256x64xbf16, #tpu.memory_space<vmem>> -> memref<256x64xbf16, #tpu.memory_space<vmem>>
      tpu.enqueue_dma source(%dma_start3A_120 : memref<256x64xbf16, #tpu.memory_space<vmem>>) target(%dma_start3A_116 : memref<256x64xbf16, #tpu.memory_space<hbm>>) target_semaphore(%dma_start3A_112 : memref<!tpu.dma_semaphore, #tpu.memory_space<semaphore_mem>>)
      %scan3A_121 = arith.constant 0 : i32
      scf.yield %scan3A_121 : i32
    }
    %scan3A_20 = arith.constant 32 : i32
    %scan3A_21 = arith.constant 0 : i32
    %scan3A_22 = arith.constant 28 : i32
    %scan3A_23 = arith.constant 4 : i32
    %scan3A_24 = arith.addi %scan3A_22, %scan3A_23 : i32
    %scan3A_25 = arith.constant 1 : i32
    %scan3A_26 = scf.for %scan3A_28 = %scan3A_22 to %scan3A_24 step %scan3A_25 iter_args(%scan3A_29 = %scan3A_21) -> (i32)  : i32 {
      %jit3A = arith.constant 4 : i32
      %eq3A = arith.constant 0 : i32
      %eq3A_30 = arith.cmpi eq, %jit3A, %eq3A : i32
      %jit3A_31 = arith.constant 1 : i32
      %select_n3A = arith.select %eq3A_30, %jit3A_31, %jit3A : i32
      %rem3A = arith.remsi %scan3A_28, %select_n3A : i32
      %ne3A = arith.constant 0 : i32
      %ne3A_32 = arith.cmpi ne, %rem3A, %ne3A : i32
      %lt3A = arith.constant 0 : i32
      %lt3A_33 = arith.cmpi slt, %rem3A, %lt3A : i32
      %lt3A_34 = arith.constant 0 : i32
      %lt3A_35 = arith.cmpi slt, %select_n3A, %lt3A_34 : i32
      %ne3A_36 = arith.xori %lt3A_33, %lt3A_35 : i1
      %and3A = arith.andi %ne3A_36, %ne3A_32 : i1
      %add3A_37 = arith.addi %rem3A, %select_n3A : i32
      %select_n3A_38 = arith.select %and3A, %add3A_37, %rem3A : i32
      %jit3A_39 = arith.constant 4 : i32
      %eq3A_40 = arith.constant 0 : i32
      %eq3A_41 = arith.cmpi eq, %jit3A_39, %eq3A_40 : i32
      %jit3A_42 = arith.constant 1 : i32
      %select_n3A_43 = arith.select %eq3A_41, %jit3A_42, %jit3A_39 : i32
      %rem3A_44 = arith.remsi %scan3A_28, %select_n3A_43 : i32
      %ne3A_45 = arith.constant 0 : i32
      %ne3A_46 = arith.cmpi ne, %rem3A_44, %ne3A_45 : i32
      %lt3A_47 = arith.constant 0 : i32
      %lt3A_48 = arith.cmpi slt, %rem3A_44, %lt3A_47 : i32
      %lt3A_49 = arith.constant 0 : i32
      %lt3A_50 = arith.cmpi slt, %select_n3A_43, %lt3A_49 : i32
      %ne3A_51 = arith.xori %lt3A_48, %lt3A_50 : i1
      %and3A_52 = arith.andi %ne3A_51, %ne3A_46 : i1
      %add3A_53 = arith.addi %rem3A_44, %select_n3A_43 : i32
      %select_n3A_54 = arith.select %and3A_52, %add3A_53, %rem3A_44 : i32
      %dma_wait3A = arith.constant 0 : i32
      %dma_wait3A_55 = arith.constant 0 : i32
      %dma_wait3A_56 = tpu.memref_slice %arg6[%select_n3A_38, %dma_wait3A, %dma_wait3A_55] : memref<4x256x64xbf16, #tpu.memory_space<vmem>> -> memref<1x256x64xbf16, #tpu.memory_space<vmem>>
      %dma_wait3A_57 = tpu.memref_squeeze %dma_wait3A_56 : memref<1x256x64xbf16, #tpu.memory_space<vmem>> -> memref<256x64xbf16, #tpu.memory_space<vmem>>
      %dma_wait3A_58 = arith.constant 0 : i32
      %dma_wait3A_59 = arith.constant 0 : i32
      %dma_wait3A_60 = tpu.memref_slice %arg4[%add3A, %scan3A_28, %dma_wait3A_58, %dma_wait3A_59] : memref<32x32x256x64xbf16, #tpu.memory_space<hbm>> -> memref<1x1x256x64xbf16, #tpu.memory_space<hbm>>
      %dma_wait3A_61 = tpu.memref_squeeze %dma_wait3A_60 : memref<1x1x256x64xbf16, #tpu.memory_space<hbm>> -> memref<256x64xbf16, #tpu.memory_space<hbm>>
      %dma_wait3A_62 = tpu.memref_slice %arg8[%select_n3A_54] : memref<4x!tpu.dma_semaphore, #tpu.memory_space<semaphore_mem>> -> memref<1x!tpu.dma_semaphore, #tpu.memory_space<semaphore_mem>>
      %dma_wait3A_63 = tpu.memref_squeeze %dma_wait3A_62 : memref<1x!tpu.dma_semaphore, #tpu.memory_space<semaphore_mem>> -> memref<!tpu.dma_semaphore, #tpu.memory_space<semaphore_mem>>
      %dma_wait3A_64 = arith.constant 0 : i32
      %dma_wait3A_65 = arith.constant 0 : i32
      %dma_wait3A_66 = tpu.memref_slice %arg4[%add3A, %scan3A_28, %dma_wait3A_64, %dma_wait3A_65] : memref<32x32x256x64xbf16, #tpu.memory_space<hbm>> -> memref<1x1x256x64xbf16, #tpu.memory_space<hbm>>
      %dma_wait3A_67 = tpu.memref_squeeze %dma_wait3A_66 : memref<1x1x256x64xbf16, #tpu.memory_space<hbm>> -> memref<256x64xbf16, #tpu.memory_space<hbm>>
      %dma_wait3A_68 = arith.constant 0 : i32
      %dma_wait3A_69 = arith.constant 0 : i32
      %dma_wait3A_70 = tpu.memref_slice %arg6[%select_n3A_38, %dma_wait3A_68, %dma_wait3A_69] : memref<4x256x64xbf16, #tpu.memory_space<vmem>> -> memref<1x256x64xbf16, #tpu.memory_space<vmem>>
      %dma_wait3A_71 = tpu.memref_squeeze %dma_wait3A_70 : memref<1x256x64xbf16, #tpu.memory_space<vmem>> -> memref<256x64xbf16, #tpu.memory_space<vmem>>
      tpu.wait_dma2 semaphore(%dma_wait3A_63 : memref<!tpu.dma_semaphore, #tpu.memory_space<semaphore_mem>>) src(%dma_wait3A_71 : memref<256x64xbf16, #tpu.memory_space<vmem>>) dst(%dma_wait3A_67 : memref<256x64xbf16, #tpu.memory_space<hbm>>)
      %scan3A_72 = arith.constant 0 : i32
      scf.yield %scan3A_72 : i32
    }
    %scan3A_27 = arith.constant 4 : i32
    return
  }
}

#map = affine_map<(d0, d1) -> (0, 0)>
#map1 = affine_map<(d0, d1) -> (0, 0, 0)>
#map2 = affine_map<(d0, d1) -> (0, 0, 0, 0)>
module attributes {stable_mosaic.version = 14 : i64} {
  func.func @_gather_embs(%arg0: i32, %arg1: i32, %arg2: memref<20502x64xbf16, #tpu.memory_space<hbm>>, %arg3: memref<32x32x256xi32, #tpu.memory_space<hbm>>, %arg4: memref<32x32x256x64xbf16, #tpu.memory_space<hbm>>, %arg5: memref<32x256xi32, #tpu.memory_space<vmem>>, %arg6: memref<4x256x64xbf16, #tpu.memory_space<vmem>>, %arg7: memref<4x!tpu.dma_semaphore, #tpu.memory_space<semaphore_mem>>, %arg8: memref<4x!tpu.dma_semaphore, #tpu.memory_space<semaphore_mem>>) attributes {dimension_semantics = [#tpu.dimension_semantics<core_parallel>, #tpu.dimension_semantics<subcore_parallel>], iteration_bounds = array<i64: 2, 16>, scalar_prefetch = 0 : i64, scratch_operands = 4 : i64, tpu.core_type = #tpu.core_type<sc_vector_subcore>, window_params = [{transform_indices = #map}, {transform_indices = #map1}, {transform_indices = #map2}]} {
    %mul3A = arith.constant 2 : i32
    %mul3A_0 = arith.muli %arg1, %mul3A : i32
    %add3A = arith.addi %mul3A_0, %arg0 : i32
    "tpu.region"() ({
      %run_scoped3A = tpu.sem_alloc : memref<!tpu.dma_semaphore, #tpu.memory_space<semaphore_mem>>
      %dma_start3A_28 = arith.constant 0 : i32
      %dma_start3A_29 = arith.constant 0 : i32
      %dma_start3A_30 = tpu.memref_slice %arg3[%add3A, %dma_start3A_28, %dma_start3A_29] : memref<32x32x256xi32, #tpu.memory_space<hbm>> -> memref<1x32x256xi32, #tpu.memory_space<hbm>>
      %dma_start3A_31 = tpu.memref_squeeze %dma_start3A_30 : memref<1x32x256xi32, #tpu.memory_space<hbm>> -> memref<32x256xi32, #tpu.memory_space<hbm>>
      %dma_start3A_32 = arith.constant 0 : i32
      %dma_start3A_33 = arith.constant 0 : i32
      %dma_start3A_34 = tpu.memref_slice %arg3[%add3A, %dma_start3A_32, %dma_start3A_33] : memref<32x32x256xi32, #tpu.memory_space<hbm>> -> memref<1x32x256xi32, #tpu.memory_space<hbm>>
      %dma_start3A_35 = tpu.memref_squeeze %dma_start3A_34 : memref<1x32x256xi32, #tpu.memory_space<hbm>> -> memref<32x256xi32, #tpu.memory_space<hbm>>
      tpu.enqueue_dma source(%dma_start3A_35 : memref<32x256xi32, #tpu.memory_space<hbm>>) target(%arg5 : memref<32x256xi32, #tpu.memory_space<vmem>>) target_semaphore(%run_scoped3A : memref<!tpu.dma_semaphore, #tpu.memory_space<semaphore_mem>>)
      %dma_wait3A = arith.constant 0 : i32
      %dma_wait3A_36 = arith.constant 0 : i32
      %dma_wait3A_37 = tpu.memref_slice %arg3[%add3A, %dma_wait3A, %dma_wait3A_36] : memref<32x32x256xi32, #tpu.memory_space<hbm>> -> memref<1x32x256xi32, #tpu.memory_space<hbm>>
      %dma_wait3A_38 = tpu.memref_squeeze %dma_wait3A_37 : memref<1x32x256xi32, #tpu.memory_space<hbm>> -> memref<32x256xi32, #tpu.memory_space<hbm>>
      %dma_wait3A_39 = arith.constant 0 : i32
      %dma_wait3A_40 = arith.constant 0 : i32
      %dma_wait3A_41 = tpu.memref_slice %arg3[%add3A, %dma_wait3A_39, %dma_wait3A_40] : memref<32x32x256xi32, #tpu.memory_space<hbm>> -> memref<1x32x256xi32, #tpu.memory_space<hbm>>
      %dma_wait3A_42 = tpu.memref_squeeze %dma_wait3A_41 : memref<1x32x256xi32, #tpu.memory_space<hbm>> -> memref<32x256xi32, #tpu.memory_space<hbm>>
      tpu.wait_dma2 semaphore(%run_scoped3A : memref<!tpu.dma_semaphore, #tpu.memory_space<semaphore_mem>>) src(%dma_wait3A_42 : memref<32x256xi32, #tpu.memory_space<hbm>>) dst(%arg5 : memref<32x256xi32, #tpu.memory_space<vmem>>)
      tpu.yield
    }) : () -> ()
    %dma_start3A = arith.constant 0 : i32
    %dma_start3A_1 = arith.constant 0 : i32
    %dma_start3A_2 = arith.constant 0 : i32
    %dma_start3A_3 = arith.constant 0 : i32
    %dma_start3A_4 = arith.constant 0 : i32
    %dma_start3A_5 = tpu.memref_slice %arg6[%dma_start3A_1, %dma_start3A_3, %dma_start3A_4] : memref<4x256x64xbf16, #tpu.memory_space<vmem>> -> memref<1x256x64xbf16, #tpu.memory_space<vmem>>
    %dma_start3A_6 = tpu.memref_squeeze %dma_start3A_5 : memref<1x256x64xbf16, #tpu.memory_space<vmem>> -> memref<256x64xbf16, #tpu.memory_space<vmem>>
    %dma_start3A_7 = arith.constant 0 : i32
    %dma_start3A_8 = tpu.memref_slice %arg5[%dma_start3A, %dma_start3A_7] : memref<32x256xi32, #tpu.memory_space<vmem>> -> memref<1x256xi32, #tpu.memory_space<vmem>>
    %dma_start3A_9 = tpu.memref_squeeze %dma_start3A_8 : memref<1x256xi32, #tpu.memory_space<vmem>> -> memref<256xi32, #tpu.memory_space<vmem>>
    %dma_start3A_10 = arith.constant 0 : i32
    %dma_start3A_11 = arith.constant 0 : i32
    %dma_start3A_12 = tpu.memref_slice %arg2[%dma_start3A_10, %dma_start3A_11] : memref<20502x64xbf16, #tpu.memory_space<hbm>> -> memref<20502x64xbf16, #tpu.memory_space<hbm>>
    %dma_start3A_13 = tpu.memref_slice %arg7[%dma_start3A_2] : memref<4x!tpu.dma_semaphore, #tpu.memory_space<semaphore_mem>> -> memref<1x!tpu.dma_semaphore, #tpu.memory_space<semaphore_mem>>
    %dma_start3A_14 = tpu.memref_squeeze %dma_start3A_13 : memref<1x!tpu.dma_semaphore, #tpu.memory_space<semaphore_mem>> -> memref<!tpu.dma_semaphore, #tpu.memory_space<semaphore_mem>>
    tpu.enqueue_indirect_dma source(%dma_start3A_12 : memref<20502x64xbf16, #tpu.memory_space<hbm>>) target(%dma_start3A_6 : memref<256x64xbf16, #tpu.memory_space<vmem>>) offsets(%dma_start3A_9 : memref<256xi32, #tpu.memory_space<vmem>>) semaphore(%dma_start3A_14 : memref<!tpu.dma_semaphore, #tpu.memory_space<semaphore_mem>>)
    %scan3A = arith.constant 0 : i32
    %scan3A_15 = arith.constant 0 : i32
    %scan3A_16 = arith.constant 32 : i32
    %scan3A_17 = arith.addi %scan3A_15, %scan3A_16 : i32
    %scan3A_18 = arith.constant 1 : i32
    %scan3A_19 = scf.for %scan3A_28 = %scan3A_15 to %scan3A_17 step %scan3A_18 iter_args(%scan3A_29 = %scan3A) -> (i32)  : i32 {
      %add3A_30 = arith.constant 1 : i32
      %add3A_31 = arith.addi %scan3A_28, %add3A_30 : i32
      %lt3A = arith.constant 32 : i32
      %lt3A_32 = arith.cmpi slt, %add3A_31, %lt3A : i32
      %convert_element_type3A = arith.extui %lt3A_32 : i1 to i32
      %cond3A = arith.constant 0 : i32
      %cond3A_33 = arith.cmpi ne, %convert_element_type3A, %cond3A : i32
      scf.if %cond3A_33 {
        %ge3A = arith.constant 4 : i32
        %ge3A_122 = arith.cmpi sge, %add3A_31, %ge3A : i32
        %convert_element_type3A_123 = arith.extui %ge3A_122 : i1 to i32
        %cond3A_124 = arith.constant 0 : i32
        %cond3A_125 = arith.cmpi ne, %convert_element_type3A_123, %cond3A_124 : i32
        scf.if %cond3A_125 {
          %sub3A = arith.constant 4 : i32
          %sub3A_170 = arith.subi %add3A_31, %sub3A : i32
          %jit3A_171 = arith.constant 4 : i32
          %eq3A_172 = arith.constant 0 : i32
          %eq3A_173 = arith.cmpi eq, %jit3A_171, %eq3A_172 : i32
          %jit3A_174 = arith.constant 1 : i32
          %select_n3A_175 = arith.select %eq3A_173, %jit3A_174, %jit3A_171 : i32
          %rem3A_176 = arith.remsi %sub3A_170, %select_n3A_175 : i32
          %ne3A_177 = arith.constant 0 : i32
          %ne3A_178 = arith.cmpi ne, %rem3A_176, %ne3A_177 : i32
          %lt3A_179 = arith.constant 0 : i32
          %lt3A_180 = arith.cmpi slt, %rem3A_176, %lt3A_179 : i32
          %lt3A_181 = arith.constant 0 : i32
          %lt3A_182 = arith.cmpi slt, %select_n3A_175, %lt3A_181 : i32
          %ne3A_183 = arith.xori %lt3A_180, %lt3A_182 : i1
          %and3A_184 = arith.andi %ne3A_183, %ne3A_178 : i1
          %add3A_185 = arith.addi %rem3A_176, %select_n3A_175 : i32
          %select_n3A_186 = arith.select %and3A_184, %add3A_185, %rem3A_176 : i32
          %jit3A_187 = arith.constant 4 : i32
          %eq3A_188 = arith.constant 0 : i32
          %eq3A_189 = arith.cmpi eq, %jit3A_187, %eq3A_188 : i32
          %jit3A_190 = arith.constant 1 : i32
          %select_n3A_191 = arith.select %eq3A_189, %jit3A_190, %jit3A_187 : i32
          %rem3A_192 = arith.remsi %sub3A_170, %select_n3A_191 : i32
          %ne3A_193 = arith.constant 0 : i32
          %ne3A_194 = arith.cmpi ne, %rem3A_192, %ne3A_193 : i32
          %lt3A_195 = arith.constant 0 : i32
          %lt3A_196 = arith.cmpi slt, %rem3A_192, %lt3A_195 : i32
          %lt3A_197 = arith.constant 0 : i32
          %lt3A_198 = arith.cmpi slt, %select_n3A_191, %lt3A_197 : i32
          %ne3A_199 = arith.xori %lt3A_196, %lt3A_198 : i1
          %and3A_200 = arith.andi %ne3A_199, %ne3A_194 : i1
          %add3A_201 = arith.addi %rem3A_192, %select_n3A_191 : i32
          %select_n3A_202 = arith.select %and3A_200, %add3A_201, %rem3A_192 : i32
          %dma_wait3A_203 = arith.constant 0 : i32
          %dma_wait3A_204 = arith.constant 0 : i32
          %dma_wait3A_205 = tpu.memref_slice %arg6[%select_n3A_186, %dma_wait3A_203, %dma_wait3A_204] : memref<4x256x64xbf16, #tpu.memory_space<vmem>> -> memref<1x256x64xbf16, #tpu.memory_space<vmem>>
          %dma_wait3A_206 = tpu.memref_squeeze %dma_wait3A_205 : memref<1x256x64xbf16, #tpu.memory_space<vmem>> -> memref<256x64xbf16, #tpu.memory_space<vmem>>
          %dma_wait3A_207 = arith.constant 0 : i32
          %dma_wait3A_208 = arith.constant 0 : i32
          %dma_wait3A_209 = tpu.memref_slice %arg4[%add3A, %sub3A_170, %dma_wait3A_207, %dma_wait3A_208] : memref<32x32x256x64xbf16, #tpu.memory_space<hbm>> -> memref<1x1x256x64xbf16, #tpu.memory_space<hbm>>
          %dma_wait3A_210 = tpu.memref_squeeze %dma_wait3A_209 : memref<1x1x256x64xbf16, #tpu.memory_space<hbm>> -> memref<256x64xbf16, #tpu.memory_space<hbm>>
          %dma_wait3A_211 = tpu.memref_slice %arg8[%select_n3A_202] : memref<4x!tpu.dma_semaphore, #tpu.memory_space<semaphore_mem>> -> memref<1x!tpu.dma_semaphore, #tpu.memory_space<semaphore_mem>>
          %dma_wait3A_212 = tpu.memref_squeeze %dma_wait3A_211 : memref<1x!tpu.dma_semaphore, #tpu.memory_space<semaphore_mem>> -> memref<!tpu.dma_semaphore, #tpu.memory_space<semaphore_mem>>
          %dma_wait3A_213 = arith.constant 0 : i32
          %dma_wait3A_214 = arith.constant 0 : i32
          %dma_wait3A_215 = tpu.memref_slice %arg4[%add3A, %sub3A_170, %dma_wait3A_213, %dma_wait3A_214] : memref<32x32x256x64xbf16, #tpu.memory_space<hbm>> -> memref<1x1x256x64xbf16, #tpu.memory_space<hbm>>
          %dma_wait3A_216 = tpu.memref_squeeze %dma_wait3A_215 : memref<1x1x256x64xbf16, #tpu.memory_space<hbm>> -> memref<256x64xbf16, #tpu.memory_space<hbm>>
          %dma_wait3A_217 = arith.constant 0 : i32
          %dma_wait3A_218 = arith.constant 0 : i32
          %dma_wait3A_219 = tpu.memref_slice %arg6[%select_n3A_186, %dma_wait3A_217, %dma_wait3A_218] : memref<4x256x64xbf16, #tpu.memory_space<vmem>> -> memref<1x256x64xbf16, #tpu.memory_space<vmem>>
          %dma_wait3A_220 = tpu.memref_squeeze %dma_wait3A_219 : memref<1x256x64xbf16, #tpu.memory_space<vmem>> -> memref<256x64xbf16, #tpu.memory_space<vmem>>
          tpu.wait_dma2 semaphore(%dma_wait3A_212 : memref<!tpu.dma_semaphore, #tpu.memory_space<semaphore_mem>>) src(%dma_wait3A_220 : memref<256x64xbf16, #tpu.memory_space<vmem>>) dst(%dma_wait3A_216 : memref<256x64xbf16, #tpu.memory_space<hbm>>)
        } else {
        }
        %jit3A_126 = arith.constant 4 : i32
        %eq3A_127 = arith.constant 0 : i32
        %eq3A_128 = arith.cmpi eq, %jit3A_126, %eq3A_127 : i32
        %jit3A_129 = arith.constant 1 : i32
        %select_n3A_130 = arith.select %eq3A_128, %jit3A_129, %jit3A_126 : i32
        %rem3A_131 = arith.remsi %add3A_31, %select_n3A_130 : i32
        %ne3A_132 = arith.constant 0 : i32
        %ne3A_133 = arith.cmpi ne, %rem3A_131, %ne3A_132 : i32
        %lt3A_134 = arith.constant 0 : i32
        %lt3A_135 = arith.cmpi slt, %rem3A_131, %lt3A_134 : i32
        %lt3A_136 = arith.constant 0 : i32
        %lt3A_137 = arith.cmpi slt, %select_n3A_130, %lt3A_136 : i32
        %ne3A_138 = arith.xori %lt3A_135, %lt3A_137 : i1
        %and3A_139 = arith.andi %ne3A_138, %ne3A_133 : i1
        %add3A_140 = arith.addi %rem3A_131, %select_n3A_130 : i32
        %select_n3A_141 = arith.select %and3A_139, %add3A_140, %rem3A_131 : i32
        %jit3A_142 = arith.constant 4 : i32
        %eq3A_143 = arith.constant 0 : i32
        %eq3A_144 = arith.cmpi eq, %jit3A_142, %eq3A_143 : i32
        %jit3A_145 = arith.constant 1 : i32
        %select_n3A_146 = arith.select %eq3A_144, %jit3A_145, %jit3A_142 : i32
        %rem3A_147 = arith.remsi %add3A_31, %select_n3A_146 : i32
        %ne3A_148 = arith.constant 0 : i32
        %ne3A_149 = arith.cmpi ne, %rem3A_147, %ne3A_148 : i32
        %lt3A_150 = arith.constant 0 : i32
        %lt3A_151 = arith.cmpi slt, %rem3A_147, %lt3A_150 : i32
        %lt3A_152 = arith.constant 0 : i32
        %lt3A_153 = arith.cmpi slt, %select_n3A_146, %lt3A_152 : i32
        %ne3A_154 = arith.xori %lt3A_151, %lt3A_153 : i1
        %and3A_155 = arith.andi %ne3A_154, %ne3A_149 : i1
        %add3A_156 = arith.addi %rem3A_147, %select_n3A_146 : i32
        %select_n3A_157 = arith.select %and3A_155, %add3A_156, %rem3A_147 : i32
        %dma_start3A_158 = arith.constant 0 : i32
        %dma_start3A_159 = arith.constant 0 : i32
        %dma_start3A_160 = tpu.memref_slice %arg6[%select_n3A_141, %dma_start3A_158, %dma_start3A_159] : memref<4x256x64xbf16, #tpu.memory_space<vmem>> -> memref<1x256x64xbf16, #tpu.memory_space<vmem>>
        %dma_start3A_161 = tpu.memref_squeeze %dma_start3A_160 : memref<1x256x64xbf16, #tpu.memory_space<vmem>> -> memref<256x64xbf16, #tpu.memory_space<vmem>>
        %dma_start3A_162 = arith.constant 0 : i32
        %dma_start3A_163 = tpu.memref_slice %arg5[%add3A_31, %dma_start3A_162] : memref<32x256xi32, #tpu.memory_space<vmem>> -> memref<1x256xi32, #tpu.memory_space<vmem>>
        %dma_start3A_164 = tpu.memref_squeeze %dma_start3A_163 : memref<1x256xi32, #tpu.memory_space<vmem>> -> memref<256xi32, #tpu.memory_space<vmem>>
        %dma_start3A_165 = arith.constant 0 : i32
        %dma_start3A_166 = arith.constant 0 : i32
        %dma_start3A_167 = tpu.memref_slice %arg2[%dma_start3A_165, %dma_start3A_166] : memref<20502x64xbf16, #tpu.memory_space<hbm>> -> memref<20502x64xbf16, #tpu.memory_space<hbm>>
        %dma_start3A_168 = tpu.memref_slice %arg7[%select_n3A_157] : memref<4x!tpu.dma_semaphore, #tpu.memory_space<semaphore_mem>> -> memref<1x!tpu.dma_semaphore, #tpu.memory_space<semaphore_mem>>
        %dma_start3A_169 = tpu.memref_squeeze %dma_start3A_168 : memref<1x!tpu.dma_semaphore, #tpu.memory_space<semaphore_mem>> -> memref<!tpu.dma_semaphore, #tpu.memory_space<semaphore_mem>>
        tpu.enqueue_indirect_dma source(%dma_start3A_167 : memref<20502x64xbf16, #tpu.memory_space<hbm>>) target(%dma_start3A_161 : memref<256x64xbf16, #tpu.memory_space<vmem>>) offsets(%dma_start3A_164 : memref<256xi32, #tpu.memory_space<vmem>>) semaphore(%dma_start3A_169 : memref<!tpu.dma_semaphore, #tpu.memory_space<semaphore_mem>>)
      } else {
      }
      %jit3A = arith.constant 4 : i32
      %eq3A = arith.constant 0 : i32
      %eq3A_34 = arith.cmpi eq, %jit3A, %eq3A : i32
      %jit3A_35 = arith.constant 1 : i32
      %select_n3A = arith.select %eq3A_34, %jit3A_35, %jit3A : i32
      %rem3A = arith.remsi %scan3A_28, %select_n3A : i32
      %ne3A = arith.constant 0 : i32
      %ne3A_36 = arith.cmpi ne, %rem3A, %ne3A : i32
      %lt3A_37 = arith.constant 0 : i32
      %lt3A_38 = arith.cmpi slt, %rem3A, %lt3A_37 : i32
      %lt3A_39 = arith.constant 0 : i32
      %lt3A_40 = arith.cmpi slt, %select_n3A, %lt3A_39 : i32
      %ne3A_41 = arith.xori %lt3A_38, %lt3A_40 : i1
      %and3A = arith.andi %ne3A_41, %ne3A_36 : i1
      %add3A_42 = arith.addi %rem3A, %select_n3A : i32
      %select_n3A_43 = arith.select %and3A, %add3A_42, %rem3A : i32
      %jit3A_44 = arith.constant 4 : i32
      %eq3A_45 = arith.constant 0 : i32
      %eq3A_46 = arith.cmpi eq, %jit3A_44, %eq3A_45 : i32
      %jit3A_47 = arith.constant 1 : i32
      %select_n3A_48 = arith.select %eq3A_46, %jit3A_47, %jit3A_44 : i32
      %rem3A_49 = arith.remsi %scan3A_28, %select_n3A_48 : i32
      %ne3A_50 = arith.constant 0 : i32
      %ne3A_51 = arith.cmpi ne, %rem3A_49, %ne3A_50 : i32
      %lt3A_52 = arith.constant 0 : i32
      %lt3A_53 = arith.cmpi slt, %rem3A_49, %lt3A_52 : i32
      %lt3A_54 = arith.constant 0 : i32
      %lt3A_55 = arith.cmpi slt, %select_n3A_48, %lt3A_54 : i32
      %ne3A_56 = arith.xori %lt3A_53, %lt3A_55 : i1
      %and3A_57 = arith.andi %ne3A_56, %ne3A_51 : i1
      %add3A_58 = arith.addi %rem3A_49, %select_n3A_48 : i32
      %select_n3A_59 = arith.select %and3A_57, %add3A_58, %rem3A_49 : i32
      %dma_wait3A = arith.constant 0 : i32
      %dma_wait3A_60 = arith.constant 0 : i32
      %dma_wait3A_61 = tpu.memref_slice %arg6[%select_n3A_43, %dma_wait3A, %dma_wait3A_60] : memref<4x256x64xbf16, #tpu.memory_space<vmem>> -> memref<1x256x64xbf16, #tpu.memory_space<vmem>>
      %dma_wait3A_62 = tpu.memref_squeeze %dma_wait3A_61 : memref<1x256x64xbf16, #tpu.memory_space<vmem>> -> memref<256x64xbf16, #tpu.memory_space<vmem>>
      %dma_wait3A_63 = arith.constant 0 : i32
      %dma_wait3A_64 = tpu.memref_slice %arg5[%scan3A_28, %dma_wait3A_63] : memref<32x256xi32, #tpu.memory_space<vmem>> -> memref<1x256xi32, #tpu.memory_space<vmem>>
      %dma_wait3A_65 = tpu.memref_squeeze %dma_wait3A_64 : memref<1x256xi32, #tpu.memory_space<vmem>> -> memref<256xi32, #tpu.memory_space<vmem>>
      %dma_wait3A_66 = arith.constant 0 : i32
      %dma_wait3A_67 = arith.constant 0 : i32
      %dma_wait3A_68 = tpu.memref_slice %arg2[%dma_wait3A_66, %dma_wait3A_67] : memref<20502x64xbf16, #tpu.memory_space<hbm>> -> memref<20502x64xbf16, #tpu.memory_space<hbm>>
      %dma_wait3A_69 = tpu.memref_slice %arg7[%select_n3A_59] : memref<4x!tpu.dma_semaphore, #tpu.memory_space<semaphore_mem>> -> memref<1x!tpu.dma_semaphore, #tpu.memory_space<semaphore_mem>>
      %dma_wait3A_70 = tpu.memref_squeeze %dma_wait3A_69 : memref<1x!tpu.dma_semaphore, #tpu.memory_space<semaphore_mem>> -> memref<!tpu.dma_semaphore, #tpu.memory_space<semaphore_mem>>
      tpu.wait_indirect_dma semaphore(%dma_wait3A_70 : memref<!tpu.dma_semaphore, #tpu.memory_space<semaphore_mem>>) src(%dma_wait3A_68 : memref<20502x64xbf16, #tpu.memory_space<hbm>>) dst(%dma_wait3A_62 : memref<256x64xbf16, #tpu.memory_space<vmem>>)
      %jit3A_71 = arith.constant 4 : i32
      %eq3A_72 = arith.constant 0 : i32
      %eq3A_73 = arith.cmpi eq, %jit3A_71, %eq3A_72 : i32
      %jit3A_74 = arith.constant 1 : i32
      %select_n3A_75 = arith.select %eq3A_73, %jit3A_74, %jit3A_71 : i32
      %rem3A_76 = arith.remsi %scan3A_28, %select_n3A_75 : i32
      %ne3A_77 = arith.constant 0 : i32
      %ne3A_78 = arith.cmpi ne, %rem3A_76, %ne3A_77 : i32
      %lt3A_79 = arith.constant 0 : i32
      %lt3A_80 = arith.cmpi slt, %rem3A_76, %lt3A_79 : i32
      %lt3A_81 = arith.constant 0 : i32
      %lt3A_82 = arith.cmpi slt, %select_n3A_75, %lt3A_81 : i32
      %ne3A_83 = arith.xori %lt3A_80, %lt3A_82 : i1
      %and3A_84 = arith.andi %ne3A_83, %ne3A_78 : i1
      %add3A_85 = arith.addi %rem3A_76, %select_n3A_75 : i32
      %select_n3A_86 = arith.select %and3A_84, %add3A_85, %rem3A_76 : i32
      %jit3A_87 = arith.constant 4 : i32
      %eq3A_88 = arith.constant 0 : i32
      %eq3A_89 = arith.cmpi eq, %jit3A_87, %eq3A_88 : i32
      %jit3A_90 = arith.constant 1 : i32
      %select_n3A_91 = arith.select %eq3A_89, %jit3A_90, %jit3A_87 : i32
      %rem3A_92 = arith.remsi %scan3A_28, %select_n3A_91 : i32
      %ne3A_93 = arith.constant 0 : i32
      %ne3A_94 = arith.cmpi ne, %rem3A_92, %ne3A_93 : i32
      %lt3A_95 = arith.constant 0 : i32
      %lt3A_96 = arith.cmpi slt, %rem3A_92, %lt3A_95 : i32
      %lt3A_97 = arith.constant 0 : i32
      %lt3A_98 = arith.cmpi slt, %select_n3A_91, %lt3A_97 : i32
      %ne3A_99 = arith.xori %lt3A_96, %lt3A_98 : i1
      %and3A_100 = arith.andi %ne3A_99, %ne3A_94 : i1
      %add3A_101 = arith.addi %rem3A_92, %select_n3A_91 : i32
      %select_n3A_102 = arith.select %and3A_100, %add3A_101, %rem3A_92 : i32
      %dma_start3A_103 = arith.constant 0 : i32
      %dma_start3A_104 = arith.constant 0 : i32
      %dma_start3A_105 = tpu.memref_slice %arg6[%select_n3A_86, %dma_start3A_103, %dma_start3A_104] : memref<4x256x64xbf16, #tpu.memory_space<vmem>> -> memref<1x256x64xbf16, #tpu.memory_space<vmem>>
      %dma_start3A_106 = tpu.memref_squeeze %dma_start3A_105 : memref<1x256x64xbf16, #tpu.memory_space<vmem>> -> memref<256x64xbf16, #tpu.memory_space<vmem>>
      %dma_start3A_107 = arith.constant 0 : i32
      %dma_start3A_108 = arith.constant 0 : i32
      %dma_start3A_109 = tpu.memref_slice %arg4[%add3A, %scan3A_28, %dma_start3A_107, %dma_start3A_108] : memref<32x32x256x64xbf16, #tpu.memory_space<hbm>> -> memref<1x1x256x64xbf16, #tpu.memory_space<hbm>>
      %dma_start3A_110 = tpu.memref_squeeze %dma_start3A_109 : memref<1x1x256x64xbf16, #tpu.memory_space<hbm>> -> memref<256x64xbf16, #tpu.memory_space<hbm>>
      %dma_start3A_111 = tpu.memref_slice %arg8[%select_n3A_102] : memref<4x!tpu.dma_semaphore, #tpu.memory_space<semaphore_mem>> -> memref<1x!tpu.dma_semaphore, #tpu.memory_space<semaphore_mem>>
      %dma_start3A_112 = tpu.memref_squeeze %dma_start3A_111 : memref<1x!tpu.dma_semaphore, #tpu.memory_space<semaphore_mem>> -> memref<!tpu.dma_semaphore, #tpu.memory_space<semaphore_mem>>
      %dma_start3A_113 = arith.constant 0 : i32
      %dma_start3A_114 = arith.constant 0 : i32
      %dma_start3A_115 = tpu.memref_slice %arg4[%add3A, %scan3A_28, %dma_start3A_113, %dma_start3A_114] : memref<32x32x256x64xbf16, #tpu.memory_space<hbm>> -> memref<1x1x256x64xbf16, #tpu.memory_space<hbm>>
      %dma_start3A_116 = tpu.memref_squeeze %dma_start3A_115 : memref<1x1x256x64xbf16, #tpu.memory_space<hbm>> -> memref<256x64xbf16, #tpu.memory_space<hbm>>
      %dma_start3A_117 = arith.constant 0 : i32
      %dma_start3A_118 = arith.constant 0 : i32
      %dma_start3A_119 = tpu.memref_slice %arg6[%select_n3A_86, %dma_start3A_117, %dma_start3A_118] : memref<4x256x64xbf16, #tpu.memory_space<vmem>> -> memref<1x256x64xbf16, #tpu.memory_space<vmem>>
      %dma_start3A_120 = tpu.memref_squeeze %dma_start3A_119 : memref<1x256x64xbf16, #tpu.memory_space<vmem>> -> memref<256x64xbf16, #tpu.memory_space<vmem>>
      tpu.enqueue_dma source(%dma_start3A_120 : memref<256x64xbf16, #tpu.memory_space<vmem>>) target(%dma_start3A_116 : memref<256x64xbf16, #tpu.memory_space<hbm>>) target_semaphore(%dma_start3A_112 : memref<!tpu.dma_semaphore, #tpu.memory_space<semaphore_mem>>)
      %scan3A_121 = arith.constant 0 : i32
      scf.yield %scan3A_121 : i32
    }
    %scan3A_20 = arith.constant 32 : i32
    %scan3A_21 = arith.constant 0 : i32
    %scan3A_22 = arith.constant 28 : i32
    %scan3A_23 = arith.constant 4 : i32
    %scan3A_24 = arith.addi %scan3A_22, %scan3A_23 : i32
    %scan3A_25 = arith.constant 1 : i32
    %scan3A_26 = scf.for %scan3A_28 = %scan3A_22 to %scan3A_24 step %scan3A_25 iter_args(%scan3A_29 = %scan3A_21) -> (i32)  : i32 {
      %jit3A = arith.constant 4 : i32
      %eq3A = arith.constant 0 : i32
      %eq3A_30 = arith.cmpi eq, %jit3A, %eq3A : i32
      %jit3A_31 = arith.constant 1 : i32
      %select_n3A = arith.select %eq3A_30, %jit3A_31, %jit3A : i32
      %rem3A = arith.remsi %scan3A_28, %select_n3A : i32
      %ne3A = arith.constant 0 : i32
      %ne3A_32 = arith.cmpi ne, %rem3A, %ne3A : i32
      %lt3A = arith.constant 0 : i32
      %lt3A_33 = arith.cmpi slt, %rem3A, %lt3A : i32
      %lt3A_34 = arith.constant 0 : i32
      %lt3A_35 = arith.cmpi slt, %select_n3A, %lt3A_34 : i32
      %ne3A_36 = arith.xori %lt3A_33, %lt3A_35 : i1
      %and3A = arith.andi %ne3A_36, %ne3A_32 : i1
      %add3A_37 = arith.addi %rem3A, %select_n3A : i32
      %select_n3A_38 = arith.select %and3A, %add3A_37, %rem3A : i32
      %jit3A_39 = arith.constant 4 : i32
      %eq3A_40 = arith.constant 0 : i32
      %eq3A_41 = arith.cmpi eq, %jit3A_39, %eq3A_40 : i32
      %jit3A_42 = arith.constant 1 : i32
      %select_n3A_43 = arith.select %eq3A_41, %jit3A_42, %jit3A_39 : i32
      %rem3A_44 = arith.remsi %scan3A_28, %select_n3A_43 : i32
      %ne3A_45 = arith.constant 0 : i32
      %ne3A_46 = arith.cmpi ne, %rem3A_44, %ne3A_45 : i32
      %lt3A_47 = arith.constant 0 : i32
      %lt3A_48 = arith.cmpi slt, %rem3A_44, %lt3A_47 : i32
      %lt3A_49 = arith.constant 0 : i32
      %lt3A_50 = arith.cmpi slt, %select_n3A_43, %lt3A_49 : i32
      %ne3A_51 = arith.xori %lt3A_48, %lt3A_50 : i1
      %and3A_52 = arith.andi %ne3A_51, %ne3A_46 : i1
      %add3A_53 = arith.addi %rem3A_44, %select_n3A_43 : i32
      %select_n3A_54 = arith.select %and3A_52, %add3A_53, %rem3A_44 : i32
      %dma_wait3A = arith.constant 0 : i32
      %dma_wait3A_55 = arith.constant 0 : i32
      %dma_wait3A_56 = tpu.memref_slice %arg6[%select_n3A_38, %dma_wait3A, %dma_wait3A_55] : memref<4x256x64xbf16, #tpu.memory_space<vmem>> -> memref<1x256x64xbf16, #tpu.memory_space<vmem>>
      %dma_wait3A_57 = tpu.memref_squeeze %dma_wait3A_56 : memref<1x256x64xbf16, #tpu.memory_space<vmem>> -> memref<256x64xbf16, #tpu.memory_space<vmem>>
      %dma_wait3A_58 = arith.constant 0 : i32
      %dma_wait3A_59 = arith.constant 0 : i32
      %dma_wait3A_60 = tpu.memref_slice %arg4[%add3A, %scan3A_28, %dma_wait3A_58, %dma_wait3A_59] : memref<32x32x256x64xbf16, #tpu.memory_space<hbm>> -> memref<1x1x256x64xbf16, #tpu.memory_space<hbm>>
      %dma_wait3A_61 = tpu.memref_squeeze %dma_wait3A_60 : memref<1x1x256x64xbf16, #tpu.memory_space<hbm>> -> memref<256x64xbf16, #tpu.memory_space<hbm>>
      %dma_wait3A_62 = tpu.memref_slice %arg8[%select_n3A_54] : memref<4x!tpu.dma_semaphore, #tpu.memory_space<semaphore_mem>> -> memref<1x!tpu.dma_semaphore, #tpu.memory_space<semaphore_mem>>
      %dma_wait3A_63 = tpu.memref_squeeze %dma_wait3A_62 : memref<1x!tpu.dma_semaphore, #tpu.memory_space<semaphore_mem>> -> memref<!tpu.dma_semaphore, #tpu.memory_space<semaphore_mem>>
      %dma_wait3A_64 = arith.constant 0 : i32
      %dma_wait3A_65 = arith.constant 0 : i32
      %dma_wait3A_66 = tpu.memref_slice %arg4[%add3A, %scan3A_28, %dma_wait3A_64, %dma_wait3A_65] : memref<32x32x256x64xbf16, #tpu.memory_space<hbm>> -> memref<1x1x256x64xbf16, #tpu.memory_space<hbm>>
      %dma_wait3A_67 = tpu.memref_squeeze %dma_wait3A_66 : memref<1x1x256x64xbf16, #tpu.memory_space<hbm>> -> memref<256x64xbf16, #tpu.memory_space<hbm>>
      %dma_wait3A_68 = arith.constant 0 : i32
      %dma_wait3A_69 = arith.constant 0 : i32
      %dma_wait3A_70 = tpu.memref_slice %arg6[%select_n3A_38, %dma_wait3A_68, %dma_wait3A_69] : memref<4x256x64xbf16, #tpu.memory_space<vmem>> -> memref<1x256x64xbf16, #tpu.memory_space<vmem>>
      %dma_wait3A_71 = tpu.memref_squeeze %dma_wait3A_70 : memref<1x256x64xbf16, #tpu.memory_space<vmem>> -> memref<256x64xbf16, #tpu.memory_space<vmem>>
      tpu.wait_dma2 semaphore(%dma_wait3A_63 : memref<!tpu.dma_semaphore, #tpu.memory_space<semaphore_mem>>) src(%dma_wait3A_71 : memref<256x64xbf16, #tpu.memory_space<vmem>>) dst(%dma_wait3A_67 : memref<256x64xbf16, #tpu.memory_space<hbm>>)
      %scan3A_72 = arith.constant 0 : i32
      scf.yield %scan3A_72 : i32
    }
    %scan3A_27 = arith.constant 4 : i32
    return
  }
}

module attributes {stable_mosaic.version = 14 : i64} {
  func.func @_mlp_body(%arg0: i32, %arg1: memref<2097152xbf16, #tpu.memory_space<vmem>>, %arg2: memref<2048x128xbf16, #tpu.memory_space<vmem>>, %arg3: memref<1x128xf32, #tpu.memory_space<vmem>>, %arg4: memref<128x64xf32, #tpu.memory_space<vmem>>, %arg5: memref<1x64xf32, #tpu.memory_space<vmem>>, %arg6: memref<1024x64xf32, #tpu.memory_space<vmem>>) attributes {dimension_semantics = [#tpu.dimension_semantics<arbitrary>], iteration_bounds = array<i64: 8>, scalar_prefetch = 0 : i64, scratch_operands = 0 : i64, tpu.core_type = #tpu.core_type<tc>, window_params = [{transform_indices = @transform_0, window_bounds = array<i64: 2097152>}, {pipeline_mode = #tpu.pipeline_mode<synchronous>, transform_indices = @transform_1, window_bounds = array<i64: 2048, 128>}, {pipeline_mode = #tpu.pipeline_mode<synchronous>, transform_indices = @transform_2, window_bounds = array<i64: 1, 128>}, {pipeline_mode = #tpu.pipeline_mode<synchronous>, transform_indices = @transform_3, window_bounds = array<i64: 128, 64>}, {pipeline_mode = #tpu.pipeline_mode<synchronous>, transform_indices = @transform_4, window_bounds = array<i64: 1, 64>}, {transform_indices = @transform_5, window_bounds = array<i64: 1024, 64>}]} {
    %get3A = arith.constant 0 : index
    %get3A_0 = vector.load %arg1[%get3A] : memref<2097152xbf16, #tpu.memory_space<vmem>>, vector<2097152xbf16>
    %reshape3A = vector.shape_cast %get3A_0 : vector<2097152xbf16> to vector<1024x2048xbf16>
    %get3A_1 = arith.constant 0 : index
    %get3A_2 = arith.constant 0 : index
    %get3A_3 = vector.load %arg2[%get3A_1, %get3A_2] : memref<2048x128xbf16, #tpu.memory_space<vmem>>, vector<2048x128xbf16>
    %dot_general3A = arith.constant dense<0.000000e+00> : vector<1024x128xf32>
    %dot_general3A_4 = tpu.matmul %reshape3A, %get3A_3, %dot_general3A {dimension_numbers = #tpu.dot_dimension_numbers<[1], [0], [0], [1], [0, 0, 1, 1], [], []>, transpose_lhs_hint = false} : vector<1024x2048xbf16>, vector<2048x128xbf16>, vector<1024x128xf32> -> vector<1024x128xf32>
    %get3A_5 = arith.constant 0 : index
    %get3A_6 = arith.constant 0 : index
    %get3A_7 = vector.load %arg3[%get3A_5, %get3A_6] : memref<1x128xf32, #tpu.memory_space<vmem>>, vector<1x128xf32>
    %add3A = vector.broadcast %get3A_7 : vector<1x128xf32> to vector<1024x128xf32>
    %add3A_8 = arith.addf %dot_general3A_4, %add3A : vector<1024x128xf32>
    %max3A = arith.constant 0.000000e+00 : f32
    %max3A_9 = vector.broadcast %max3A : f32 to vector<1024x128xf32>
    %max3A_10 = arith.maximumf %add3A_8, %max3A_9 : vector<1024x128xf32>
    %get3A_11 = arith.constant 0 : index
    %get3A_12 = arith.constant 0 : index
    %get3A_13 = vector.load %arg4[%get3A_11, %get3A_12] : memref<128x64xf32, #tpu.memory_space<vmem>>, vector<128x64xf32>
    %dot_general3A_14 = arith.constant dense<0.000000e+00> : vector<1024x64xf32>
    %dot_general3A_15 = tpu.matmul %max3A_10, %get3A_13, %dot_general3A_14 {dimension_numbers = #tpu.dot_dimension_numbers<[1], [0], [0], [1], [0, 0, 1, 1], [], []>, transpose_lhs_hint = false} : vector<1024x128xf32>, vector<128x64xf32>, vector<1024x64xf32> -> vector<1024x64xf32>
    %get3A_16 = arith.constant 0 : index
    %get3A_17 = arith.constant 0 : index
    %get3A_18 = vector.load %arg5[%get3A_16, %get3A_17] : memref<1x64xf32, #tpu.memory_space<vmem>>, vector<1x64xf32>
    %add3A_19 = vector.broadcast %get3A_18 : vector<1x64xf32> to vector<1024x64xf32>
    %add3A_20 = arith.addf %dot_general3A_15, %add3A_19 : vector<1024x64xf32>
    %swap3A = arith.constant 0 : index
    %swap3A_21 = arith.constant 0 : index
    %swap3A_22 = vector.load %arg6[%swap3A, %swap3A_21] : memref<1024x64xf32, #tpu.memory_space<vmem>>, vector<1024x64xf32>
    tpu.vector_store %arg6[%swap3A, %swap3A_21], %add3A_20 {strides = array<i32>} : memref<1024x64xf32, #tpu.memory_space<vmem>>, vector<1024x64xf32>,
    return
  }
  func.func @transform_0(%arg0: i32) -> i32 {
    %c0_i32 = arith.constant 0 : i32
    return %arg0 : i32
  }
  func.func @transform_1(%arg0: i32) -> (i32, i32) {
    %c0_i32 = arith.constant 0 : i32
    %c0_i32_0 = arith.constant 0 : i32
    %c0_i32_1 = arith.constant 0 : i32
    return %c0_i32, %c0_i32_0 : i32, i32
  }
  func.func @transform_2(%arg0: i32) -> (i32, i32) {
    %c0_i32 = arith.constant 0 : i32
    %c0_i32_0 = arith.constant 0 : i32
    %c0_i32_1 = arith.constant 0 : i32
    return %c0_i32, %c0_i32_0 : i32, i32
  }
  func.func @transform_3(%arg0: i32) -> (i32, i32) {
    %c0_i32 = arith.constant 0 : i32
    %c0_i32_0 = arith.constant 0 : i32
    %c0_i32_1 = arith.constant 0 : i32
    return %c0_i32, %c0_i32_0 : i32, i32
  }
  func.func @transform_4(%arg0: i32) -> (i32, i32) {
    %c0_i32 = arith.constant 0 : i32
    %c0_i32_0 = arith.constant 0 : i32
    %c0_i32_1 = arith.constant 0 : i32
    return %c0_i32, %c0_i32_0 : i32, i32
  }
  func.func @transform_5(%arg0: i32) -> (i32, i32) {
    %c0_i32 = arith.constant 0 : i32
    %c0_i32_0 = arith.constant 0 : i32
    return %arg0, %c0_i32 : i32, i32
  }
}

</mosaic_0001>

<sc_bundles>
// kernel: kernel.10.cloned.1.call-start
scs
__scs_entry_jumppad:
0x0: {  	(pc) =	sbr.rel $0x88, $3  }
0x1: {  	(tag) =	ssettag $0x0;
	lr =	simm.s32 $0x1  }
0x2: {  	[smem:$0x3F98] =	sst lr;
	_ =	strace $0xD0000000  }
0x3: {  	_ = 	snop  }
0x4: {  	_ = 	snop  }
0x5: {  	_ = 	snop  }
0x6: {  	_ = 	snop  }
0x7: {  	_ = 	snop  }
__scs_overlays_trampoline_lowered:
0x8: {  	[smem:$0x3FA7] =	sst s0  }
0x9: {  	[smem:$0x3FA8] =	sst s1  }
0xa: {  	[smem:$0x3FA9] =	sst s2  }
0xb: {  	[smem:$0x3FAA] =	sst s3  }
0xc: {  	[smem:$0x3FAB] =	sst s4  }
0xd: {  	[smem:$0x3FAC] =	sst s5  }
0xe: {  	[smem:$0x3FAD] =	sst s6  }
0xf: {  	[smem:$0x3FAE] =	sst s7  }
0x10: {  	[smem:$0x3FAF] =	sst s8  }
0x11: {  	[smem:$0x3FB0] =	sst s9;
	s0 =	simm.s32 @!p0 $0x0  }
0x12: {  	s1 =	sld [smem:$0x3F96];
	s0 =	simm.s32 @p0 $0x1  }
0x13: {  	[smem:$0x3FB1] =	sst s0;
	s0 =	simm.s32 @!p1 $0x0  }
0x14: {  	s2 =	sld [smem:$0x3F95];
	s0 =	simm.s32 @p1 $0x1  }
0x15: {  	[smem:$0x3FB2] =	sst s0;
	s0 =	simm.s32 @!p2 $0x0  }
0x16: {  	s3 =	sld [smem:$0x3FDB];
	s0 =	simm.s32 @p2 $0x1  }
0x17: {  	s4 =	simm.s32 $0x1BF5;
	[smem:$0x3FB4] =	sst s0  }
0x18: {  	s0 =	sld [smem:$0x3F97];
	_ =	swait.ge [sflag:s4], $0x0  }
0x19: {  	s7 =	sld [smem:$0x3F98]  }
0x1a: {  	s8 =	sadd.s32 $0xFFFFE003, lr  }
0x1b: {  	s9 =	sadd.s32 $0xFFFFFEF7, lr;
	s5 =	simm.s32 $0xFFFFFFFF;
	p2 =	slt.u32 s8, $0xFFFFF086  }
0x1c: {  	p1 =	slt.u32 s9, $0xF7A;
	s5 =	simm.s32 @!p2 $0x0  }
0x1d: {  	s5 =	simm.s32 @p1 $0x1;
	p0 =	seq.s32 s7, s2  }
0x1e: {  	s7 =	smul.u32 @!p0 $0xF7A, s2;
	p2 =	seq.s32 @!p0 s5, $0x0  }
0x1f: {  	s9 =	smul.u32 $0xF7A, s1;
	s8 =	simm.s32 @!p0 $0x1BF5;
	p2 =	por !p2, p0  }
0x20: {  	[sflag:s8] =	ssyncset.s32 @!p0 $0xFFFFF086;
	s6 =	sadd.s32 @!p0 s3, s7;
	s7 =	simm.s32 @!p0 $0x108  }
0x21: {  	s3 =	sadd.s32 s3, s9;
	s6 =	sadd.s32 @!p0 $0x88, s6;
	s7 =	simm.s32 @p2 $0x1082  }
0x22: {  	[simem:s7], [sflag:s8] =	dma.local @!p0 [hbm:s6], $0xF7A  }
0x23: {  	s9 =	sor.u32 $0xD0000000, s2;
	s6 =	simm.s32 $0x108;
	_ =	swait.ge @!p0 [sflag:s8], $0x0  }
0x24: {  	s3 =	sadd.s32 $0x88, s3;
	s6 =	simm.s32 @!p1 $0x1082;
	[sflag:s4] =	ssyncset.s32 $0xFFFFF086  }
0x25: {  	[simem:s6], [sflag:s4] =	dma.local [hbm:s3], $0xF7A  }
0x26: {  	[smem:$0x3F98] =	sst s1;
	(tag) =	ssettag s2;
	_ =	strace s9  }
0x27: {  	s1 =	sld [smem:$0x3FA8]  }
0x28: {  	s2 =	sld [smem:$0x3FA9]  }
0x29: {  	s4 =	sld [smem:$0x3FAB]  }
0x2a: {  	p0 =	seq.s32 s5, $0x0;
	s5 =	sld [smem:$0x3FAC]  }
0x2b: {  	s6 =	sld [smem:$0x3FAD]  }
0x2c: {  	s7 =	sld [smem:$0x3FAE]  }
0x2d: {  	s3 =	simm.s32 $0x108;
	s8 =	sld [smem:$0x3FAF]  }
0x2e: {  	s3 =	simm.s32 @!p0 $0x1082;
	s9 =	sld [smem:$0x3FB0]  }
0x2f: {  	lr =	sadd.s32 s0, s3;
	s0 =	sld [smem:$0x3FA7]  }
0x30: {  	s3 =	sld [smem:$0x3FAA]  }
0x31: {  	[smem:$0x3FB3] =	sst s10  }
0x32: {  	s10 =	sld [smem:$0x3FB1];
	_ =	sdelay $0x3  }
0x33: {  	p0 =	seq.s32 s10, $0x1;
	s10 =	sld [smem:$0x3FB3];
	_ =	sdelay $0x3  }
0x34: {  	[smem:$0x3FB3] =	sst s10  }
0x35: {  	s10 =	sld [smem:$0x3FB2];
	_ =	sdelay $0x3  }
0x36: {  	p1 =	seq.s32 s10, $0x1;
	s10 =	sld [smem:$0x3FB3];
	_ =	sdelay $0x3  }
0x37: {  	[smem:$0x3FB3] =	sst s10  }
0x38: {  	s10 =	sld [smem:$0x3FB4]  }
0x39: {  	_ = 	snop;
	(pc) =	sbr.ind lr, $3  }
0x3a: {  	_ = 	snop  }
0x3b: {  	_ = 	snop  }
0x3c: {  	p2 =	seq.s32 s10, $0x1;
	s10 =	sld [smem:$0x3FB3]  }
0x3d: {  	_ =	shalt  }
0x3e: {  	_ =	shalt  }
0x3f: {  	_ =	shalt  }
0x40: {  	_ =	shalt  }
0x41: {  	_ =	shalt  }
0x42: {  	_ =	shalt  }
0x43: {  	_ =	shalt  }
0x44: {  	_ =	shalt  }
0x45: {  	_ =	shalt  }
0x46: {  	_ =	shalt  }
0x47: {  	_ =	shalt  }
0x48: {  	_ =	shalt  }
0x49: {  	_ =	shalt  }
0x4a: {  	_ =	shalt  }
0x4b: {  	_ =	shalt  }
0x4c: {  	_ =	shalt  }
0x4d: {  	_ =	shalt  }
0x4e: {  	_ =	shalt  }
0x4f: {  	_ =	shalt  }
0x50: {  	_ =	shalt  }
0x51: {  	_ =	shalt  }
0x52: {  	_ =	shalt  }
0x53: {  	_ =	shalt  }
0x54: {  	_ =	shalt  }
0x55: {  	_ =	shalt  }
0x56: {  	_ =	shalt  }
0x57: {  	_ =	shalt  }
0x58: {  	_ =	shalt  }
0x59: {  	_ =	shalt  }
0x5a: {  	_ =	shalt  }
0x5b: {  	_ =	shalt  }
0x5c: {  	_ =	shalt  }
0x5d: {  	_ =	shalt  }
0x5e: {  	_ =	shalt  }
0x5f: {  	_ =	shalt  }
0x60: {  	_ =	shalt  }
0x61: {  	_ =	shalt  }
0x62: {  	_ =	shalt  }
0x63: {  	_ =	shalt  }
0x64: {  	_ =	shalt  }
0x65: {  	_ =	shalt  }
0x66: {  	_ =	shalt  }
0x67: {  	_ =	shalt  }
0x68: {  	_ =	shalt  }
0x69: {  	_ =	shalt  }
0x6a: {  	_ =	shalt  }
0x6b: {  	_ =	shalt  }
0x6c: {  	_ =	shalt  }
0x6d: {  	_ =	shalt  }
0x6e: {  	_ =	shalt  }
0x6f: {  	_ =	shalt  }
0x70: {  	_ =	shalt  }
0x71: {  	_ =	shalt  }
0x72: {  	_ =	shalt  }
0x73: {  	_ =	shalt  }
0x74: {  	_ =	shalt  }
0x75: {  	_ =	shalt  }
0x76: {  	_ =	shalt  }
0x77: {  	_ =	shalt  }
0x78: {  	_ =	shalt  }
0x79: {  	_ =	shalt  }
0x7a: {  	_ =	shalt  }
0x7b: {  	_ =	shalt  }
0x7c: {  	_ =	shalt  }
0x7d: {  	_ =	shalt  }
0x7e: {  	_ =	shalt  }
0x7f: {  	_ =	shalt  }
0x80: {  	_ =	shalt  }
0x81: {  	_ =	shalt  }
0x82: {  	_ =	shalt  }
0x83: {  	_ =	shalt  }
0x84: {  	_ =	shalt  }
0x85: {  	_ =	shalt  }
0x86: {  	_ =	shalt  }
0x87: {  	_ =	shalt  }
.Lfunc_end0:
.L_simem_size_0:
called_computation.3_lowered:
.L_overlay_start_0:
0x88: {  	s2 =	sld [smem:$0x3FD9]  }
0x89: {  	s3 =	sld [smem:$0x3FFE];
	_ =	sdelay $0x1  }
0x8a: {  	s1 =	srdreg.scid  }
0x8b: {  	s0 =	sand.u32 $0x1, s1  }
0x8c: {  	s17 =	sshll.u32 s0, $0xA;
	s2 =	sadd.s32 s3, s2  }
0x8d: {  	s2 =	sadd.s32 s2, s17  }
0x8e: {  	[smem:$0x3FBF] =	sst s2  }
0x8f: {  	_ = 	snop  }
0x90: {  	s18 =	sld [smem:$0x3FD0];
	(tm) =	ssettm $0x1  }
0x91: {  	s19 =	sld [smem:$0x3FFB];
	_ =	sdelay $0x3  }
0x92: {  	_ =	strace s19  }
0x93: {  	s2 =	sld [smem:$0x3FFC];
	_ =	sdelay $0x3  }
0x94: {  	_ =	strace s2  }
0x95: {  	s2 =	sld [smem:$0x3FFD];
	_ =	sdelay $0x3  }
0x96: {  	_ =	strace s2  }
0x97: {  	_ =	strace $0x8FFFFFFF  }
0x98: {  	s20 =	sld [smem:$0x3FDB];
	_ =	sdelay $0x1  }
0x99: {  	s4 =	simm.s32 $_scs_section_size  }
0x9a: {  	s5 =	simm.s32 $_size__tile_overlayer_lowered;
	s6 =	simm.s32 $_tile_overlayer_lowered  }
0x9b: {  	s7 =	simm.s32 $0x1BFF;
	s21 =	sshll.u32 s6, $0x1;
	s4 =	sadd.s32 s4, s20  }
0x9c: {  	s22 =	simm.s32 $0x0;
	s5 =	sshll.u32 s5, $0x1;
	s6 =	sadd.s32 s21, s4  }
0x9d: {  	[timem:s22], [sflag:s7] =	dma.local [hbm:s6], s5  }
0x9e: {  	_ =	swait.ge [sflag:s7], s5  }
0x9f: {  	s5 =	ssub.s32 $0x0, s5;
	[sflag:s7] =	ssyncset.done $0x0  }
0xa0: {  	[sflag:s7] =	ssyncadd.s32 s5;
	_ =	sdelay $0x1  }
0xa1: {  	s23 =	simm.s32 $0x1B8B  }
0xa2: {  	_ =	swait.ge [sflag:s23], $0x1  }
0xa3: {  	[sflag:s23] =	ssyncset.done $0x0  }
0xa4: {  	[sflag:s23] =	ssyncadd.s32 $0xFFFFFFFF  }
0xa5: {  	s5 =	sld [smem:$0x0]  }
0xa6: {  	s6 =	sand.u32 $0xFFFFFFFE, s1  }
0xa7: {  	p0 =	sne.s32 s1, s6  }
0xa8: {  	s6 =	sshll.u32 @p0 s6, $0xE  }
0xa9: {  	s6 =	sadd.s32 @p0 $0x11B8D, s6;
	s7 =	sshll.u32 @p0 s5, $0x11  }
0xaa: {  	s6 =	sor.u32 @p0 s7, s6  }
0xab: {  	[sflag:s6] =	ssyncadd.remote.s32 @p0 $0x1;
	_ =	sdelay $0x1  }
0xac: {  	s6 =	simm.s32 @p0 $0x1B8D  }
0xad: {  	_ =	swait.eq @p0 [sflag:s6], $0x1  }
0xae: {  	[sflag:s6] =	ssyncadd.s32 @p0 $0xFFFFFFFF  }
0xaf: {  	s7 =	sshll.u32 @!p0 s1, $0xE  }
0xb0: {  	s7 =	sor.u32 @!p0 $0x4000, s7;
	s6 =	simm.s32 @!p0 $0x1B8D  }
0xb1: {  	s5 =	sshll.u32 @!p0 s5, $0x11;
	s7 =	sadd.s32 @!p0 $0x11B8D, s7;
	_ =	swait.eq @!p0 [sflag:s6], $0x1  }
0xb2: {  	s5 =	sor.u32 @!p0 s5, s7;
	[sflag:s6] =	ssyncadd.s32 @!p0 $0xFFFFFFFF  }
0xb3: {  	s25 =	simm.s32 $0x1B8E;
	s24 =	sld [smem:$0x3FFE];
	[sflag:s5] =	ssyncadd.remote.s32 @!p0 $0x1  }
0xb4: {  	s26 =	simm.s32 $execute0_lowered;
	[smem:$0x3FD2] =	sst s25  }
0xb5: {  	s6 =	sshll.u32 s26, $0x1;
	_ =	strace $0x8000004C;
	[dreg:$0x1] =	wrdreg $0xFFFFFFFF  }
0xb6: {  	s28 =	simm.s32 $_size_execute0_lowered;
	s4 =	sadd.s32 s4, s6;
	[dreg:$0x0] =	wrdreg $0x0  }
0xb7: {  	s6 =	sshll.u32 s28, $0x1;
	[dreg:$0x2] =	wrdreg s4  }
0xb8: {  	[dreg:$0x3] =	wrdreg s6  }
0xb9: {  	[dreg:$0x4] =	wrdreg $0xC0  }
0xba: {  	_ =	task [dreg:s22], $0x5FFFF  }
0xbb: {  	[dreg:$0x1] =	wrdreg $0xFFFFFFFF  }
0xbc: {  	[dreg:$0x0] =	wrdreg $0x60  }
0xbd: {  	[dreg:$0x2] =	wrdreg s18  }
0xbe: {  	[dreg:$0x3] =	wrdreg s24  }
0xbf: {  	[dreg:$0x4] =	wrdreg $0xA  }
0xc0: {  	_ =	task.clear_ibuf [dreg:s22], $0x5FFFF;
	_ =	strace $0x9000004C  }
0xc1: {  	s29 =	simm.s32 $0xA;
	_ =	strace $0x8000004E  }
0xc2: {  	_ =	swait.ge [sflag:s29], $0x1  }
0xc3: {  	[sflag:s29] =	ssyncadd.s32 $0xFFFFFFFF  }
0xc4: {  	_ =	strace $0x9000004E  }
0xc5: {  	_ =	sfence  }
0xc6: {  	s30 =	sld [smem:$0x0];
	_ =	sdelay $0x2  }
0xc7: {  	s31 =	sshll.u32 s1, $0xD;
	s1 =	sshrl.u32 s1, $0x2  }
0xc8: {  	s4 =	sand.u32 $0x4000, s31;
	s1 =	sadd.s32 s1, s30  }
0xc9: {  	s0 =	sor.u32 s4, s0;
	s1 =	sshll.u32 s1, $0x11  }
0xca: {  	s0 =	sor.u32 s1, s0  }
0xcb: {  	s0 =	sadd.s32 $0x8F2B, s0  }
0xcc: {  	[sflag:s0] =	ssyncadd.remote.s32 $0x1  }
0xcd: {  	_ =	sfence.sel $0xFFFF  }
0xce: {  	[dreg:$0x0] =	wrdreg $0xFFFFFFFF;
	(pc) =	sbr.abs _section_cstart, $3  }
0xcf: {  	[dreg:$0x1] =	wrdreg $0xFFFFFFFF  }
0xd0: {  	_ =	task.clear_ibuf [dreg:s22], $0x2FFFF;
	_ =	strace $0x9FFFFFFF  }
0xd1: {  	(tm) =	ssettm $0x7FFFFFFF  }
tec
execute0_lowered:
.L_overlay_start_1:
0x0: {  	(tag) =	ssettag $0x1  }
0x1: {  	s2 =	rddreg [dreg:$0x0]  }
0x2: {  	s0 =	rddreg [dreg:$0x1]  }
0x3: {  	s1 =	srdreg.scid;
	s8 =	stileid.u32;
	s3 =	simm.s32 $0x0  }
0x4: {  	s11 =	simm.s32 $0x9;
	s12 =	simm.s32 $0x100;
	s13 =	simm.s32 $0x2000  }
0x5: {  	s14 =	simm.s32 $0x4000;
	s15 =	simm.s32 $0x1;
	s17 =	simm.s32 $0x6000  }
0x6: {  	s18 =	simm.s32 $0x2;
	s20 =	simm.s32 $0x8000;
	s21 =	simm.s32 $0x3  }
0x7: {  	s22 =	simm.s32 $0x4;
	s23 =	simm.s32 $0x5;
	s24 =	simm.s32 $0x6  }
0x8: {  	s25 =	simm.s32 $0x7;
	s26 =	simm.s32 $0x8;
	s28 =	simm.s32 $0x0  }
0x9: {  	s1 =	sand.u32 $0x1, s1;
	s4 =	sshll.u32 s8, $0x1;
	[smem:$0x7FF] =	sst s3  }
0xa: {  	s8 =	sshll.u32 s8, $0x10;
	s5 =	sor.u32 s1, s4;
	_ =	strace $0x8000004D  }
0xb: {  	s6 =	ssub.s32 $0x2, s1;
	s1 =	sshll.u32 s1, $0xF;
	s4 =	sshll.u32 s5, $0xA  }
0xc: {  	s7 =	sshrl.u32 s6, $0x1;
	s5 =	sshll.u32 s5, $0xF;
	s4 =	sadd.s32 s4, s0  }
0xd: {  	s0 =	sadd.s32 $0x112800, s0;
	s6 =	ssub.s32 s6, s7;
	s4 =	sadd.s32 $0x10A800, s4  }
0xe: {  	s5 =	sadd.s32 s0, s5;
	s6 =	smax.u32 s6, $0x1;
	s0 =	sadd.s32 s8, s0  }
0xf: {  	[dreg:$0x3] =	wrdreg s4;
	s7 =	sadd.s32 $0x400, s5;
	s0 =	sadd.s32 s1, s0  }
0x10: {  	s8 =	sadd.s32 $0x800, s5;
	s9 =	sadd.s32 $0x7C00, s5;
	s0 =	sadd.s32 $0xC00, s0  }
.LBB2_1:
0x11: {  	s1 =	rddreg [dreg:$0x3]  }
0x12: {  	[tilespmem:s3], [sflag:$0x9] =	stream.linear.gather [hbm4b:s1+s3], $0x2000, $0x38;
	[tilespmem:$0xA000] =	vst v63  }
0x13: {  	_ =	swait.ge [sflag:s11], $0x2000  }
0x14: {  	[sflag:s11] =	ssyncset.done $0x0  }
0x15: {  	[sflag:s11] =	ssyncadd.s32 $0xFFFFE000  }
0x16: {  	[tilespmem:s13], [sflag:$0x1] =	stream.indirect.gather [hbm4b:s2+s12], $0x20, s3, s12, $0xb8;
	[tilespmem:$0xA000] =	vst v63  }
0x17: {  	_ = 	snop  }
0x18: {  	[tilespmem:s14], [sflag:$0x2] =	stream.indirect.gather [hbm4b:s2+s12], $0x20, s12, s12, $0xb8;
	[tilespmem:$0xA000] =	vst v63  }
0x19: {  	_ =	swait.ge [sflag:s15], $0x2000  }
0x1a: {  	[sflag:s15] =	ssyncset.done $0x0  }
0x1b: {  	[sflag:s15] =	ssyncadd.s32 $0xFFFFE000  }
0x1c: {  	[hbm4b:s5+s3] =	stream.linear.scatter [tilespmem:s13], [sflag:$0x5], $0x2000, $0x38;
	[tilespmem:$0xA000] =	vst v63  }
0x1d: {  	s16 =	simm.s32 $0x200  }
0x1e: {  	[tilespmem:s17], [sflag:$0x3] =	stream.indirect.gather [hbm4b:s2+s12], $0x20, s16, s12, $0xb8;
	[tilespmem:$0xA000] =	vst v63  }
0x1f: {  	_ =	swait.ge [sflag:s18], $0x2000  }
0x20: {  	[sflag:s18] =	ssyncset.done $0x0  }
0x21: {  	[sflag:s18] =	ssyncadd.s32 $0xFFFFE000  }
0x22: {  	[hbm4b:s7+s3] =	stream.linear.scatter [tilespmem:s14], [sflag:$0x6], $0x2000, $0x38;
	[tilespmem:$0xA000] =	vst v63  }
0x23: {  	s19 =	simm.s32 $0x300  }
0x24: {  	[tilespmem:s20], [sflag:$0x4] =	stream.indirect.gather [hbm4b:s2+s12], $0x20, s19, s12, $0xb8;
	[tilespmem:$0xA000] =	vst v63  }
0x25: {  	_ =	swait.ge [sflag:s21], $0x2000  }
0x26: {  	s4 =	sand.u32 $0x3, s22;
	[sflag:s21] =	ssyncset.done $0x0  }
0x27: {  	s10 =	sadd.s32 $0x5, s4;
	[sflag:s21] =	ssyncadd.s32 $0xFFFFE000  }
0x28: {  	[hbm4b:s8+s3] =	stream.linear.scatter [tilespmem:s17], [sflag:$0x7], $0x2000, $0x38;
	[tilespmem:$0xA000] =	vst v63  }
0x29: {  	s29 =	simm.s32 $0x400;
	s1 =	sadd.s32 $0x1, s4;
	_ =	swait.ge [sflag:s10], $0x2000  }
0x2a: {  	s16 =	sshll.u32 s4, $0xD;
	s19 =	simm.s32 $0x3;
	[sflag:s10] =	ssyncset.done $0x0  }
0x2b: {  	s16 =	sadd.s32 $0x2000, s16;
	s4 =	sand.u32 $0x3, s19;
	[sflag:s10] =	ssyncadd.s32 $0xFFFFE000  }
0x2c: {  	[tilespmem:s16], [sflag:s1] =	stream.indirect.gather [hbm4b:s2+s12], $0x20, s29, s12, $0xb8;
	[tilespmem:$0xA000] =	vst v63  }
0x2d: {  	s30 =	simm.s32 $0x5;
	s19 =	sshll.u32 s4, $0xD;
	s1 =	sadd.s32 $0x1, s4  }
0x2e: {  	s31 =	smov.u32 s0;
	s19 =	sadd.s32 $0x2000, s19;
	_ =	swait.ge [sflag:s1], $0x2000  }
0x2f: {  	s10 =	smov.u32 s0;
	s16 =	sadd.s32 $0x5, s4;
	[sflag:s1] =	ssyncset.done $0x0  }
.LBB2_2:
0x30: {  	[sflag:s1] =	ssyncadd.s32 $0xFFFFE000  }
0x31: {  	s31 =	sadd.s32 $0x400, s31;
	s29 =	sadd.s32 $0x100, s29;
	s1 =	smov.u32 s30  }
0x32: {  	[hbm4b:s10+s3] =	stream.linear.scatter [tilespmem:s19], [sflag:s16], $0x2000, $0x38;
	[tilespmem:$0xA000] =	vst v63  }
0x33: {  	p0 =	sne.s32 s30, $0x1F;
	s30 =	sadd.s32 $0x1, s30;
	s16 =	sand.u32 $0x3, s1  }
0x34: {  	s10 =	smov.u32 s31;
	s19 =	sadd.s32 $0x5, s16;
	s4 =	sshll.u32 s16, $0xD  }
0x35: {  	s1 =	sadd.s32 $0xFFFFFFFF, s1;
	_ =	swait.ge [sflag:s19], $0x2000  }
0x36: {  	s16 =	sadd.s32 $0x1, s16;
	s4 =	sadd.s32 $0x2000, s4;
	[sflag:s19] =	ssyncset.done $0x0  }
.Ltmp0:
0x37: {  	[sflag:s19] =	ssyncadd.s32 $0xFFFFE000;
	s19 =	sand.u32 $0x3, s1;
	(pc) =	sbr.rel @p0 .LBB2_2-.Ltmp0, $4  }
0x38: {  	[tilespmem:s4], [sflag:s16] =	stream.indirect.gather [hbm4b:s2+s12], $0x20, s29, s12, $0xb8;
	[tilespmem:$0xA000] =	vst v63  }
0x39: {  	s1 =	sadd.s32 $0x1, s19;
	s4 =	sshll.u32 s19, $0xD  }
0x3a: {  	_ =	swait.ge [sflag:s1], $0x2000  }
0x3b: {  	s16 =	sadd.s32 $0x5, s19;
	s19 =	sadd.s32 $0x2000, s4;
	[sflag:s1] =	ssyncset.done $0x0  }
0x3c: {  	[sflag:s1] =	ssyncadd.s32 $0xFFFFE000  }
0x3d: {  	[hbm4b:s10+s3] =	stream.linear.scatter [tilespmem:s19], [sflag:s16], $0x2000, $0x38;
	[tilespmem:$0xA000] =	vst v63  }
0x3e: {  	_ =	swait.ge [sflag:s22], $0x2000  }
0x3f: {  	[sflag:s22] =	ssyncset.done $0x0  }
0x40: {  	[sflag:s22] =	ssyncadd.s32 $0xFFFFE000  }
0x41: {  	[hbm4b:s9+s3] =	stream.linear.scatter [tilespmem:s20], [sflag:$0x8], $0x2000, $0x38;
	[tilespmem:$0xA000] =	vst v63  }
0x42: {  	_ =	swait.ge [sflag:s23], $0x2000  }
0x43: {  	[sflag:s23] =	ssyncset.done $0x0  }
0x44: {  	[sflag:s23] =	ssyncadd.s32 $0xFFFFE000  }
0x45: {  	_ =	swait.ge [sflag:s24], $0x2000  }
0x46: {  	[sflag:s24] =	ssyncset.done $0x0  }
0x47: {  	s28 =	sadd.s32 $0x1, s28;
	[sflag:s24] =	ssyncadd.s32 $0xFFFFE000  }
0x48: {  	p0 =	sne.s32 s28, s6;
	_ =	swait.ge [sflag:s25], $0x2000  }
.Ltmp1:
0x49: {  	[sflag:s25] =	ssyncset.done $0x0;
	(pc) =	sbr.rel @p0 .LBB2_1-.Ltmp1, $4  }
0x4a: {  	[sflag:s25] =	ssyncadd.s32 $0xFFFFE000  }
0x4b: {  	_ =	swait.ge [sflag:s26], $0x2000  }
0x4c: {  	[sflag:s26] =	ssyncset.done $0x0  }
0x4d: {  	[sflag:s26] =	ssyncadd.s32 $0xFFFFE000  }
0x4e: {  	_ =	sfence.sel $0x180000  }
0x4f: {  	[bflag:$0x0] =	sbarrier.arrive $0xFFFF  }
0x50: {  	_ =	strace $0x9000004D  }
0x51: {  	s0 =	stileid.u32;
	[bflag:$0x2] =	sbarrier.arrive $0xFFFF  }
0x52: {  	p0 =	sne.s32 s0, $0x0;
	s0 =	rddreg [dreg:$0x2]  }
0x53: {  	s0 =	sadd.s32 @!p0 $0x100000, s0  }
0x54: {  	[sflag:s0] =	ssyncadd.tile.s32 @!p0 $0x1;
	_ =	shalt  }
.Lfunc_end2:
_tile_overlayer_lowered:
.L_overlay_start_2:
0x55: {  	(tag) =	ssettag $0x2  }
0x56: {  	s0 =	rddreg [dreg:$0x0];
	s2 =	stileid.u32  }
0x57: {  	s1 =	rddreg [dreg:$0x1];
	p0 =	sne.s32 s2, $0x0  }
0x58: {  	s3 =	rddreg [dreg:$0x2];
	[bflag:$0x3] =	sbarrier.arrive $0xFFFF;
	s2 =	simm.s32 @!p0 $0x1C09  }
0x59: {  	[timem:s3], [sflag:s2] =	dma.local @!p0 [hbm:s0], s1  }
0x5a: {  	s0 =	simm.s32 @!p0 $0x9  }
0x5b: {  	_ =	swait.ge @!p0 [sflag:s0], s1  }
0x5c: {  	s1 =	ssub.s32 @!p0 $0x0, s1;
	[sflag:s0] =	ssyncset.done @!p0 $0x0  }
0x5d: {  	[sflag:s0] =	ssyncadd.s32 @!p0 s1  }
0x5e: {  	[bflag:$0x3] =	sbarrier.arrive $0xFFFF  }
0x5f: {  	_ =	shalt  }

// kernel: kernel.13.cloned.1.call-start
scs
__scs_entry_jumppad:
0x0: {  	(pc) =	sbr.rel $0x88, $3  }
0x1: {  	(tag) =	ssettag $0x0;
	lr =	simm.s32 $0x1  }
0x2: {  	[smem:$0x3F98] =	sst lr;
	_ =	strace $0xD0000000  }
0x3: {  	_ = 	snop  }
0x4: {  	_ = 	snop  }
0x5: {  	_ = 	snop  }
0x6: {  	_ = 	snop  }
0x7: {  	_ = 	snop  }
__scs_overlays_trampoline_lowered:
0x8: {  	[smem:$0x3FA7] =	sst s0  }
0x9: {  	[smem:$0x3FA8] =	sst s1  }
0xa: {  	[smem:$0x3FA9] =	sst s2  }
0xb: {  	[smem:$0x3FAA] =	sst s3  }
0xc: {  	[smem:$0x3FAB] =	sst s4  }
0xd: {  	[smem:$0x3FAC] =	sst s5  }
0xe: {  	[smem:$0x3FAD] =	sst s6  }
0xf: {  	[smem:$0x3FAE] =	sst s7  }
0x10: {  	[smem:$0x3FAF] =	sst s8  }
0x11: {  	[smem:$0x3FB0] =	sst s9;
	s0 =	simm.s32 @!p0 $0x0  }
0x12: {  	s1 =	sld [smem:$0x3F96];
	s0 =	simm.s32 @p0 $0x1  }
0x13: {  	[smem:$0x3FB1] =	sst s0;
	s0 =	simm.s32 @!p1 $0x0  }
0x14: {  	s2 =	sld [smem:$0x3F95];
	s0 =	simm.s32 @p1 $0x1  }
0x15: {  	[smem:$0x3FB2] =	sst s0;
	s0 =	simm.s32 @!p2 $0x0  }
0x16: {  	s3 =	sld [smem:$0x3FDB];
	s0 =	simm.s32 @p2 $0x1  }
0x17: {  	s4 =	simm.s32 $0x1BF5;
	[smem:$0x3FB4] =	sst s0  }
0x18: {  	s0 =	sld [smem:$0x3F97];
	_ =	swait.ge [sflag:s4], $0x0  }
0x19: {  	s7 =	sld [smem:$0x3F98]  }
0x1a: {  	s8 =	sadd.s32 $0xFFFFE003, lr  }
0x1b: {  	s9 =	sadd.s32 $0xFFFFFEF7, lr;
	s5 =	simm.s32 $0xFFFFFFFF;
	p2 =	slt.u32 s8, $0xFFFFF086  }
0x1c: {  	p1 =	slt.u32 s9, $0xF7A;
	s5 =	simm.s32 @!p2 $0x0  }
0x1d: {  	s5 =	simm.s32 @p1 $0x1;
	p0 =	seq.s32 s7, s2  }
0x1e: {  	s7 =	smul.u32 @!p0 $0xF7A, s2;
	p2 =	seq.s32 @!p0 s5, $0x0  }
0x1f: {  	s9 =	smul.u32 $0xF7A, s1;
	s8 =	simm.s32 @!p0 $0x1BF5;
	p2 =	por !p2, p0  }
0x20: {  	[sflag:s8] =	ssyncset.s32 @!p0 $0xFFFFF086;
	s6 =	sadd.s32 @!p0 s3, s7;
	s7 =	simm.s32 @!p0 $0x108  }
0x21: {  	s3 =	sadd.s32 s3, s9;
	s6 =	sadd.s32 @!p0 $0x88, s6;
	s7 =	simm.s32 @p2 $0x1082  }
0x22: {  	[simem:s7], [sflag:s8] =	dma.local @!p0 [hbm:s6], $0xF7A  }
0x23: {  	s9 =	sor.u32 $0xD0000000, s2;
	s6 =	simm.s32 $0x108;
	_ =	swait.ge @!p0 [sflag:s8], $0x0  }
0x24: {  	s3 =	sadd.s32 $0x88, s3;
	s6 =	simm.s32 @!p1 $0x1082;
	[sflag:s4] =	ssyncset.s32 $0xFFFFF086  }
0x25: {  	[simem:s6], [sflag:s4] =	dma.local [hbm:s3], $0xF7A  }
0x26: {  	[smem:$0x3F98] =	sst s1;
	(tag) =	ssettag s2;
	_ =	strace s9  }
0x27: {  	s1 =	sld [smem:$0x3FA8]  }
0x28: {  	s2 =	sld [smem:$0x3FA9]  }
0x29: {  	s4 =	sld [smem:$0x3FAB]  }
0x2a: {  	p0 =	seq.s32 s5, $0x0;
	s5 =	sld [smem:$0x3FAC]  }
0x2b: {  	s6 =	sld [smem:$0x3FAD]  }
0x2c: {  	s7 =	sld [smem:$0x3FAE]  }
0x2d: {  	s3 =	simm.s32 $0x108;
	s8 =	sld [smem:$0x3FAF]  }
0x2e: {  	s3 =	simm.s32 @!p0 $0x1082;
	s9 =	sld [smem:$0x3FB0]  }
0x2f: {  	lr =	sadd.s32 s0, s3;
	s0 =	sld [smem:$0x3FA7]  }
0x30: {  	s3 =	sld [smem:$0x3FAA]  }
0x31: {  	[smem:$0x3FB3] =	sst s10  }
0x32: {  	s10 =	sld [smem:$0x3FB1];
	_ =	sdelay $0x3  }
0x33: {  	p0 =	seq.s32 s10, $0x1;
	s10 =	sld [smem:$0x3FB3];
	_ =	sdelay $0x3  }
0x34: {  	[smem:$0x3FB3] =	sst s10  }
0x35: {  	s10 =	sld [smem:$0x3FB2];
	_ =	sdelay $0x3  }
0x36: {  	p1 =	seq.s32 s10, $0x1;
	s10 =	sld [smem:$0x3FB3];
	_ =	sdelay $0x3  }
0x37: {  	[smem:$0x3FB3] =	sst s10  }
0x38: {  	s10 =	sld [smem:$0x3FB4]  }
0x39: {  	_ = 	snop;
	(pc) =	sbr.ind lr, $3  }
0x3a: {  	_ = 	snop  }
0x3b: {  	_ = 	snop  }
0x3c: {  	p2 =	seq.s32 s10, $0x1;
	s10 =	sld [smem:$0x3FB3]  }
0x3d: {  	_ =	shalt  }
0x3e: {  	_ =	shalt  }
0x3f: {  	_ =	shalt  }
0x40: {  	_ =	shalt  }
0x41: {  	_ =	shalt  }
0x42: {  	_ =	shalt  }
0x43: {  	_ =	shalt  }
0x44: {  	_ =	shalt  }
0x45: {  	_ =	shalt  }
0x46: {  	_ =	shalt  }
0x47: {  	_ =	shalt  }
0x48: {  	_ =	shalt  }
0x49: {  	_ =	shalt  }
0x4a: {  	_ =	shalt  }
0x4b: {  	_ =	shalt  }
0x4c: {  	_ =	shalt  }
0x4d: {  	_ =	shalt  }
0x4e: {  	_ =	shalt  }
0x4f: {  	_ =	shalt  }
0x50: {  	_ =	shalt  }
0x51: {  	_ =	shalt  }
0x52: {  	_ =	shalt  }
0x53: {  	_ =	shalt  }
0x54: {  	_ =	shalt  }
0x55: {  	_ =	shalt  }
0x56: {  	_ =	shalt  }
0x57: {  	_ =	shalt  }
0x58: {  	_ =	shalt  }
0x59: {  	_ =	shalt  }
0x5a: {  	_ =	shalt  }
0x5b: {  	_ =	shalt  }
0x5c: {  	_ =	shalt  }
0x5d: {  	_ =	shalt  }
0x5e: {  	_ =	shalt  }
0x5f: {  	_ =	shalt  }
0x60: {  	_ =	shalt  }
0x61: {  	_ =	shalt  }
0x62: {  	_ =	shalt  }
0x63: {  	_ =	shalt  }
0x64: {  	_ =	shalt  }
0x65: {  	_ =	shalt  }
0x66: {  	_ =	shalt  }
0x67: {  	_ =	shalt  }
0x68: {  	_ =	shalt  }
0x69: {  	_ =	shalt  }
0x6a: {  	_ =	shalt  }
0x6b: {  	_ =	shalt  }
0x6c: {  	_ =	shalt  }
0x6d: {  	_ =	shalt  }
0x6e: {  	_ =	shalt  }
0x6f: {  	_ =	shalt  }
0x70: {  	_ =	shalt  }
0x71: {  	_ =	shalt  }
0x72: {  	_ =	shalt  }
0x73: {  	_ =	shalt  }
0x74: {  	_ =	shalt  }
0x75: {  	_ =	shalt  }
0x76: {  	_ =	shalt  }
0x77: {  	_ =	shalt  }
0x78: {  	_ =	shalt  }
0x79: {  	_ =	shalt  }
0x7a: {  	_ =	shalt  }
0x7b: {  	_ =	shalt  }
0x7c: {  	_ =	shalt  }
0x7d: {  	_ =	shalt  }
0x7e: {  	_ =	shalt  }
0x7f: {  	_ =	shalt  }
0x80: {  	_ =	shalt  }
0x81: {  	_ =	shalt  }
0x82: {  	_ =	shalt  }
0x83: {  	_ =	shalt  }
0x84: {  	_ =	shalt  }
0x85: {  	_ =	shalt  }
0x86: {  	_ =	shalt  }
0x87: {  	_ =	shalt  }
.Lfunc_end0:
.L_simem_size_0:
called_computation.4_lowered:
.L_overlay_start_0:
0x88: {  	s2 =	sld [smem:$0x3FD9]  }
0x89: {  	s3 =	sld [smem:$0x3FFE];
	_ =	sdelay $0x1  }
0x8a: {  	s1 =	srdreg.scid  }
0x8b: {  	s0 =	sand.u32 $0x1, s1  }
0x8c: {  	s17 =	sshll.u32 s0, $0xA;
	s2 =	sadd.s32 s3, s2  }
0x8d: {  	s2 =	sadd.s32 s2, s17  }
0x8e: {  	[smem:$0x3FBF] =	sst s2  }
0x8f: {  	_ = 	snop  }
0x90: {  	s2 =	sld [smem:$0x3FD0];
	(tm) =	ssettm $0x1  }
0x91: {  	s18 =	sld [smem:$0x3FFB];
	_ =	sdelay $0x3  }
0x92: {  	_ =	strace s18  }
0x93: {  	s3 =	sld [smem:$0x3FFC];
	_ =	sdelay $0x3  }
0x94: {  	_ =	strace s3  }
0x95: {  	s3 =	sld [smem:$0x3FFD];
	_ =	sdelay $0x3  }
0x96: {  	_ =	strace s3  }
0x97: {  	_ =	strace $0x8FFFFFFF  }
0x98: {  	s19 =	sld [smem:$0x3FDB];
	_ =	sdelay $0x1  }
0x99: {  	s4 =	simm.s32 $_scs_section_size  }
0x9a: {  	s5 =	simm.s32 $_size__tile_overlayer_lowered;
	s6 =	simm.s32 $_tile_overlayer_lowered  }
0x9b: {  	s22 =	simm.s32 $0x1BFF;
	s21 =	sshll.u32 s6, $0x1;
	s3 =	sadd.s32 s4, s19  }
0x9c: {  	s7 =	simm.s32 $0x0;
	s20 =	sshll.u32 s5, $0x1;
	s5 =	sadd.s32 s21, s3  }
0x9d: {  	[timem:s7], [sflag:s22] =	dma.local [hbm:s5], s20  }
0x9e: {  	_ =	swait.ge [sflag:s22], s20  }
0x9f: {  	s4 =	ssub.s32 $0x0, s20;
	[sflag:s22] =	ssyncset.done $0x0  }
0xa0: {  	[sflag:s22] =	ssyncadd.s32 s4;
	_ =	sdelay $0x1  }
0xa1: {  	s23 =	simm.s32 $0x1B8B  }
0xa2: {  	_ =	swait.ge [sflag:s23], $0x1  }
0xa3: {  	[sflag:s23] =	ssyncset.done $0x0  }
0xa4: {  	s25 =	simm.s32 $0x1B8E;
	s24 =	sld [smem:$0x3FFE];
	[sflag:s23] =	ssyncadd.s32 $0xFFFFFFFF  }
0xa5: {  	s26 =	simm.s32 $execute0_lowered;
	[smem:$0x3FD2] =	sst s25  }
0xa6: {  	s5 =	sshll.u32 s26, $0x1;
	_ =	strace $0x80000049;
	[dreg:$0x1] =	wrdreg $0xFFFFFFFF  }
0xa7: {  	s28 =	simm.s32 $_size_execute0_lowered;
	s3 =	sadd.s32 s3, s5;
	[dreg:$0x0] =	wrdreg $0x0  }
0xa8: {  	s5 =	sshll.u32 s28, $0x1;
	[dreg:$0x2] =	wrdreg s3  }
0xa9: {  	[dreg:$0x3] =	wrdreg s5  }
0xaa: {  	[dreg:$0x4] =	wrdreg $0xC0  }
0xab: {  	_ =	task [dreg:s7], $0x5FFFF  }
0xac: {  	[dreg:$0x1] =	wrdreg $0xFFFFFFFF  }
0xad: {  	[dreg:$0x0] =	wrdreg $0x60  }
0xae: {  	[dreg:$0x2] =	wrdreg s2  }
0xaf: {  	[dreg:$0x3] =	wrdreg s24  }
0xb0: {  	[dreg:$0x4] =	wrdreg $0x9  }
0xb1: {  	_ =	task.clear_ibuf [dreg:s7], $0x5FFFF;
	_ =	strace $0x90000049  }
0xb2: {  	s29 =	simm.s32 $0x9;
	_ =	strace $0x8000004B  }
0xb3: {  	_ =	swait.ge [sflag:s29], $0x1  }
0xb4: {  	[sflag:s29] =	ssyncadd.s32 $0xFFFFFFFF  }
0xb5: {  	_ =	strace $0x9000004B  }
0xb6: {  	_ =	sfence  }
0xb7: {  	s30 =	sld [smem:$0x0];
	_ =	sdelay $0x2  }
0xb8: {  	s31 =	sshll.u32 s1, $0xD;
	s1 =	sshrl.u32 s1, $0x2  }
0xb9: {  	s3 =	sand.u32 $0x4000, s31;
	s1 =	sadd.s32 s1, s30  }
0xba: {  	s0 =	sor.u32 s3, s0;
	s1 =	sshll.u32 s1, $0x11  }
0xbb: {  	s0 =	sor.u32 s1, s0  }
0xbc: {  	s0 =	sadd.s32 $0x8F2B, s0  }
0xbd: {  	[sflag:s0] =	ssyncadd.remote.s32 $0x1  }
0xbe: {  	_ =	sfence.sel $0xFFFF  }
0xbf: {  	[dreg:$0x0] =	wrdreg $0xFFFFFFFF;
	(pc) =	sbr.abs _section_cstart, $3  }
0xc0: {  	[dreg:$0x1] =	wrdreg $0xFFFFFFFF  }
0xc1: {  	_ =	task.clear_ibuf [dreg:s7], $0x2FFFF;
	_ =	strace $0x9FFFFFFF  }
0xc2: {  	(tm) =	ssettm $0x7FFFFFFF  }
0xc3: {  	_ =	shalt  }
tec
execute0_lowered:
.L_overlay_start_1:
0x0: {  	(tag) =	ssettag $0x1  }
0x1: {  	s2 =	rddreg [dreg:$0x0]  }
0x2: {  	s0 =	rddreg [dreg:$0x1]  }
0x3: {  	s1 =	srdreg.scid;
	s8 =	stileid.u32;
	s3 =	simm.s32 $0x0  }
0x4: {  	s11 =	simm.s32 $0x9;
	s12 =	simm.s32 $0x100;
	s13 =	simm.s32 $0x2000  }
0x5: {  	s14 =	simm.s32 $0x4000;
	s15 =	simm.s32 $0x1;
	s17 =	simm.s32 $0x6000  }
0x6: {  	s18 =	simm.s32 $0x2;
	s20 =	simm.s32 $0x8000;
	s21 =	simm.s32 $0x3  }
0x7: {  	s22 =	simm.s32 $0x4;
	s23 =	simm.s32 $0x5;
	s24 =	simm.s32 $0x6  }
0x8: {  	s25 =	simm.s32 $0x7;
	s26 =	simm.s32 $0x8;
	s28 =	simm.s32 $0x0  }
0x9: {  	s1 =	sand.u32 $0x1, s1;
	s4 =	sshll.u32 s8, $0x1;
	[smem:$0x7FF] =	sst s3  }
0xa: {  	s8 =	sshll.u32 s8, $0x10;
	s5 =	sor.u32 s1, s4;
	_ =	strace $0x8000004A  }
0xb: {  	s6 =	ssub.s32 $0x2, s1;
	s1 =	sshll.u32 s1, $0xF;
	s4 =	sshll.u32 s5, $0xA  }
0xc: {  	s7 =	sshrl.u32 s6, $0x1;
	s5 =	sshll.u32 s5, $0xF;
	s4 =	sadd.s32 s4, s0  }
0xd: {  	s0 =	sadd.s32 $0xA800, s0;
	s6 =	ssub.s32 s6, s7;
	s4 =	sadd.s32 $0x2800, s4  }
0xe: {  	s5 =	sadd.s32 s0, s5;
	s6 =	smax.u32 s6, $0x1;
	s0 =	sadd.s32 s8, s0  }
0xf: {  	[dreg:$0x3] =	wrdreg s4;
	s7 =	sadd.s32 $0x400, s5;
	s0 =	sadd.s32 s1, s0  }
0x10: {  	s8 =	sadd.s32 $0x800, s5;
	s9 =	sadd.s32 $0x7C00, s5;
	s0 =	sadd.s32 $0xC00, s0  }
.LBB2_1:
0x11: {  	s1 =	rddreg [dreg:$0x3]  }
0x12: {  	[tilespmem:s3], [sflag:$0x9] =	stream.linear.gather [hbm4b:s1+s3], $0x2000, $0x38;
	[tilespmem:$0xA000] =	vst v63  }
0x13: {  	_ =	swait.ge [sflag:s11], $0x2000  }
0x14: {  	[sflag:s11] =	ssyncset.done $0x0  }
0x15: {  	[sflag:s11] =	ssyncadd.s32 $0xFFFFE000  }
0x16: {  	[tilespmem:s13], [sflag:$0x1] =	stream.indirect.gather [hbm4b:s2+s12], $0x20, s3, s12, $0xb8;
	[tilespmem:$0xA000] =	vst v63  }
0x17: {  	_ = 	snop  }
0x18: {  	[tilespmem:s14], [sflag:$0x2] =	stream.indirect.gather [hbm4b:s2+s12], $0x20, s12, s12, $0xb8;
	[tilespmem:$0xA000] =	vst v63  }
0x19: {  	_ =	swait.ge [sflag:s15], $0x2000  }
0x1a: {  	[sflag:s15] =	ssyncset.done $0x0  }
0x1b: {  	[sflag:s15] =	ssyncadd.s32 $0xFFFFE000  }
0x1c: {  	[hbm4b:s5+s3] =	stream.linear.scatter [tilespmem:s13], [sflag:$0x5], $0x2000, $0x38;
	[tilespmem:$0xA000] =	vst v63  }
0x1d: {  	s16 =	simm.s32 $0x200  }
0x1e: {  	[tilespmem:s17], [sflag:$0x3] =	stream.indirect.gather [hbm4b:s2+s12], $0x20, s16, s12, $0xb8;
	[tilespmem:$0xA000] =	vst v63  }
0x1f: {  	_ =	swait.ge [sflag:s18], $0x2000  }
0x20: {  	[sflag:s18] =	ssyncset.done $0x0  }
0x21: {  	[sflag:s18] =	ssyncadd.s32 $0xFFFFE000  }
0x22: {  	[hbm4b:s7+s3] =	stream.linear.scatter [tilespmem:s14], [sflag:$0x6], $0x2000, $0x38;
	[tilespmem:$0xA000] =	vst v63  }
0x23: {  	s19 =	simm.s32 $0x300  }
0x24: {  	[tilespmem:s20], [sflag:$0x4] =	stream.indirect.gather [hbm4b:s2+s12], $0x20, s19, s12, $0xb8;
	[tilespmem:$0xA000] =	vst v63  }
0x25: {  	_ =	swait.ge [sflag:s21], $0x2000  }
0x26: {  	s4 =	sand.u32 $0x3, s22;
	[sflag:s21] =	ssyncset.done $0x0  }
0x27: {  	s10 =	sadd.s32 $0x5, s4;
	[sflag:s21] =	ssyncadd.s32 $0xFFFFE000  }
0x28: {  	[hbm4b:s8+s3] =	stream.linear.scatter [tilespmem:s17], [sflag:$0x7], $0x2000, $0x38;
	[tilespmem:$0xA000] =	vst v63  }
0x29: {  	s29 =	simm.s32 $0x400;
	s1 =	sadd.s32 $0x1, s4;
	_ =	swait.ge [sflag:s10], $0x2000  }
0x2a: {  	s16 =	sshll.u32 s4, $0xD;
	s19 =	simm.s32 $0x3;
	[sflag:s10] =	ssyncset.done $0x0  }
0x2b: {  	s16 =	sadd.s32 $0x2000, s16;
	s4 =	sand.u32 $0x3, s19;
	[sflag:s10] =	ssyncadd.s32 $0xFFFFE000  }
0x2c: {  	[tilespmem:s16], [sflag:s1] =	stream.indirect.gather [hbm4b:s2+s12], $0x20, s29, s12, $0xb8;
	[tilespmem:$0xA000] =	vst v63  }
0x2d: {  	s30 =	simm.s32 $0x5;
	s19 =	sshll.u32 s4, $0xD;
	s1 =	sadd.s32 $0x1, s4  }
0x2e: {  	s31 =	smov.u32 s0;
	s19 =	sadd.s32 $0x2000, s19;
	_ =	swait.ge [sflag:s1], $0x2000  }
0x2f: {  	s10 =	smov.u32 s0;
	s16 =	sadd.s32 $0x5, s4;
	[sflag:s1] =	ssyncset.done $0x0  }
.LBB2_2:
0x30: {  	[sflag:s1] =	ssyncadd.s32 $0xFFFFE000  }
0x31: {  	s31 =	sadd.s32 $0x400, s31;
	s29 =	sadd.s32 $0x100, s29;
	s1 =	smov.u32 s30  }
0x32: {  	[hbm4b:s10+s3] =	stream.linear.scatter [tilespmem:s19], [sflag:s16], $0x2000, $0x38;
	[tilespmem:$0xA000] =	vst v63  }
0x33: {  	p0 =	sne.s32 s30, $0x1F;
	s30 =	sadd.s32 $0x1, s30;
	s16 =	sand.u32 $0x3, s1  }
0x34: {  	s10 =	smov.u32 s31;
	s19 =	sadd.s32 $0x5, s16;
	s4 =	sshll.u32 s16, $0xD  }
0x35: {  	s1 =	sadd.s32 $0xFFFFFFFF, s1;
	_ =	swait.ge [sflag:s19], $0x2000  }
0x36: {  	s16 =	sadd.s32 $0x1, s16;
	s4 =	sadd.s32 $0x2000, s4;
	[sflag:s19] =	ssyncset.done $0x0  }
.Ltmp0:
0x37: {  	[sflag:s19] =	ssyncadd.s32 $0xFFFFE000;
	s19 =	sand.u32 $0x3, s1;
	(pc) =	sbr.rel @p0 .LBB2_2-.Ltmp0, $4  }
0x38: {  	[tilespmem:s4], [sflag:s16] =	stream.indirect.gather [hbm4b:s2+s12], $0x20, s29, s12, $0xb8;
	[tilespmem:$0xA000] =	vst v63  }
0x39: {  	s1 =	sadd.s32 $0x1, s19;
	s4 =	sshll.u32 s19, $0xD  }
0x3a: {  	_ =	swait.ge [sflag:s1], $0x2000  }
0x3b: {  	s16 =	sadd.s32 $0x5, s19;
	s19 =	sadd.s32 $0x2000, s4;
	[sflag:s1] =	ssyncset.done $0x0  }
0x3c: {  	[sflag:s1] =	ssyncadd.s32 $0xFFFFE000  }
0x3d: {  	[hbm4b:s10+s3] =	stream.linear.scatter [tilespmem:s19], [sflag:s16], $0x2000, $0x38;
	[tilespmem:$0xA000] =	vst v63  }
0x3e: {  	_ =	swait.ge [sflag:s22], $0x2000  }
0x3f: {  	[sflag:s22] =	ssyncset.done $0x0  }
0x40: {  	[sflag:s22] =	ssyncadd.s32 $0xFFFFE000  }
0x41: {  	[hbm4b:s9+s3] =	stream.linear.scatter [tilespmem:s20], [sflag:$0x8], $0x2000, $0x38;
	[tilespmem:$0xA000] =	vst v63  }
0x42: {  	_ =	swait.ge [sflag:s23], $0x2000  }
0x43: {  	[sflag:s23] =	ssyncset.done $0x0  }
0x44: {  	[sflag:s23] =	ssyncadd.s32 $0xFFFFE000  }
0x45: {  	_ =	swait.ge [sflag:s24], $0x2000  }
0x46: {  	[sflag:s24] =	ssyncset.done $0x0  }
0x47: {  	s28 =	sadd.s32 $0x1, s28;
	[sflag:s24] =	ssyncadd.s32 $0xFFFFE000  }
0x48: {  	p0 =	sne.s32 s28, s6;
	_ =	swait.ge [sflag:s25], $0x2000  }
.Ltmp1:
0x49: {  	[sflag:s25] =	ssyncset.done $0x0;
	(pc) =	sbr.rel @p0 .LBB2_1-.Ltmp1, $4  }
0x4a: {  	[sflag:s25] =	ssyncadd.s32 $0xFFFFE000  }
0x4b: {  	_ =	swait.ge [sflag:s26], $0x2000  }
0x4c: {  	[sflag:s26] =	ssyncset.done $0x0  }
0x4d: {  	[sflag:s26] =	ssyncadd.s32 $0xFFFFE000  }
0x4e: {  	_ =	sfence.sel $0x180000  }
0x4f: {  	[bflag:$0x0] =	sbarrier.arrive $0xFFFF  }
0x50: {  	_ =	strace $0x9000004A  }
0x51: {  	s0 =	stileid.u32;
	[bflag:$0x2] =	sbarrier.arrive $0xFFFF  }
0x52: {  	p0 =	sne.s32 s0, $0x0;
	s0 =	rddreg [dreg:$0x2]  }
0x53: {  	s0 =	sadd.s32 @!p0 $0x100000, s0  }
0x54: {  	[sflag:s0] =	ssyncadd.tile.s32 @!p0 $0x1;
	_ =	shalt  }
.Lfunc_end2:
_tile_overlayer_lowered:
.L_overlay_start_2:
0x55: {  	(tag) =	ssettag $0x2  }
0x56: {  	s0 =	rddreg [dreg:$0x0];
	s2 =	stileid.u32  }
0x57: {  	s1 =	rddreg [dreg:$0x1];
	p0 =	sne.s32 s2, $0x0  }
0x58: {  	s3 =	rddreg [dreg:$0x2];
	[bflag:$0x3] =	sbarrier.arrive $0xFFFF;
	s2 =	simm.s32 @!p0 $0x1C09  }
0x59: {  	[timem:s3], [sflag:s2] =	dma.local @!p0 [hbm:s0], s1  }
0x5a: {  	s0 =	simm.s32 @!p0 $0x9  }
0x5b: {  	_ =	swait.ge @!p0 [sflag:s0], s1  }
0x5c: {  	s1 =	ssub.s32 @!p0 $0x0, s1;
	[sflag:s0] =	ssyncset.done @!p0 $0x0  }
0x5d: {  	[sflag:s0] =	ssyncadd.s32 @!p0 s1  }
0x5e: {  	[bflag:$0x3] =	sbarrier.arrive $0xFFFF  }
0x5f: {  	_ =	shalt  }

// kernel: kernel.7.cloned.1.call-start
scs
__scs_entry_jumppad:
0x0: {  	(pc) =	sbr.rel $0x88, $3  }
0x1: {  	(tag) =	ssettag $0x0;
	lr =	simm.s32 $0x1  }
0x2: {  	[smem:$0x3F98] =	sst lr;
	_ =	strace $0xD0000000  }
0x3: {  	_ = 	snop  }
0x4: {  	_ = 	snop  }
0x5: {  	_ = 	snop  }
0x6: {  	_ = 	snop  }
0x7: {  	_ = 	snop  }
__scs_overlays_trampoline_lowered:
0x8: {  	[smem:$0x3FA7] =	sst s0  }
0x9: {  	[smem:$0x3FA8] =	sst s1  }
0xa: {  	[smem:$0x3FA9] =	sst s2  }
0xb: {  	[smem:$0x3FAA] =	sst s3  }
0xc: {  	[smem:$0x3FAB] =	sst s4  }
0xd: {  	[smem:$0x3FAC] =	sst s5  }
0xe: {  	[smem:$0x3FAD] =	sst s6  }
0xf: {  	[smem:$0x3FAE] =	sst s7  }
0x10: {  	[smem:$0x3FAF] =	sst s8  }
0x11: {  	[smem:$0x3FB0] =	sst s9;
	s0 =	simm.s32 @!p0 $0x0  }
0x12: {  	s1 =	sld [smem:$0x3F96];
	s0 =	simm.s32 @p0 $0x1  }
0x13: {  	[smem:$0x3FB1] =	sst s0;
	s0 =	simm.s32 @!p1 $0x0  }
0x14: {  	s2 =	sld [smem:$0x3F95];
	s0 =	simm.s32 @p1 $0x1  }
0x15: {  	[smem:$0x3FB2] =	sst s0;
	s0 =	simm.s32 @!p2 $0x0  }
0x16: {  	s3 =	sld [smem:$0x3FDB];
	s0 =	simm.s32 @p2 $0x1  }
0x17: {  	s4 =	simm.s32 $0x1BF5;
	[smem:$0x3FB4] =	sst s0  }
0x18: {  	s0 =	sld [smem:$0x3F97];
	_ =	swait.ge [sflag:s4], $0x0  }
0x19: {  	s7 =	sld [smem:$0x3F98]  }
0x1a: {  	s8 =	sadd.s32 $0xFFFFE003, lr  }
0x1b: {  	s9 =	sadd.s32 $0xFFFFFEF7, lr;
	s5 =	simm.s32 $0xFFFFFFFF;
	p2 =	slt.u32 s8, $0xFFFFF086  }
0x1c: {  	p1 =	slt.u32 s9, $0xF7A;
	s5 =	simm.s32 @!p2 $0x0  }
0x1d: {  	s5 =	simm.s32 @p1 $0x1;
	p0 =	seq.s32 s7, s2  }
0x1e: {  	s7 =	smul.u32 @!p0 $0xF7A, s2;
	p2 =	seq.s32 @!p0 s5, $0x0  }
0x1f: {  	s9 =	smul.u32 $0xF7A, s1;
	s8 =	simm.s32 @!p0 $0x1BF5;
	p2 =	por !p2, p0  }
0x20: {  	[sflag:s8] =	ssyncset.s32 @!p0 $0xFFFFF086;
	s6 =	sadd.s32 @!p0 s3, s7;
	s7 =	simm.s32 @!p0 $0x108  }
0x21: {  	s3 =	sadd.s32 s3, s9;
	s6 =	sadd.s32 @!p0 $0x88, s6;
	s7 =	simm.s32 @p2 $0x1082  }
0x22: {  	[simem:s7], [sflag:s8] =	dma.local @!p0 [hbm:s6], $0xF7A  }
0x23: {  	s9 =	sor.u32 $0xD0000000, s2;
	s6 =	simm.s32 $0x108;
	_ =	swait.ge @!p0 [sflag:s8], $0x0  }
0x24: {  	s3 =	sadd.s32 $0x88, s3;
	s6 =	simm.s32 @!p1 $0x1082;
	[sflag:s4] =	ssyncset.s32 $0xFFFFF086  }
0x25: {  	[simem:s6], [sflag:s4] =	dma.local [hbm:s3], $0xF7A  }
0x26: {  	[smem:$0x3F98] =	sst s1;
	(tag) =	ssettag s2;
	_ =	strace s9  }
0x27: {  	s1 =	sld [smem:$0x3FA8]  }
0x28: {  	s2 =	sld [smem:$0x3FA9]  }
0x29: {  	s4 =	sld [smem:$0x3FAB]  }
0x2a: {  	p0 =	seq.s32 s5, $0x0;
	s5 =	sld [smem:$0x3FAC]  }
0x2b: {  	s6 =	sld [smem:$0x3FAD]  }
0x2c: {  	s7 =	sld [smem:$0x3FAE]  }
0x2d: {  	s3 =	simm.s32 $0x108;
	s8 =	sld [smem:$0x3FAF]  }
0x2e: {  	s3 =	simm.s32 @!p0 $0x1082;
	s9 =	sld [smem:$0x3FB0]  }
0x2f: {  	lr =	sadd.s32 s0, s3;
	s0 =	sld [smem:$0x3FA7]  }
0x30: {  	s3 =	sld [smem:$0x3FAA]  }
0x31: {  	[smem:$0x3FB3] =	sst s10  }
0x32: {  	s10 =	sld [smem:$0x3FB1];
	_ =	sdelay $0x3  }
0x33: {  	p0 =	seq.s32 s10, $0x1;
	s10 =	sld [smem:$0x3FB3];
	_ =	sdelay $0x3  }
0x34: {  	[smem:$0x3FB3] =	sst s10  }
0x35: {  	s10 =	sld [smem:$0x3FB2];
	_ =	sdelay $0x3  }
0x36: {  	p1 =	seq.s32 s10, $0x1;
	s10 =	sld [smem:$0x3FB3];
	_ =	sdelay $0x3  }
0x37: {  	[smem:$0x3FB3] =	sst s10  }
0x38: {  	s10 =	sld [smem:$0x3FB4]  }
0x39: {  	_ = 	snop;
	(pc) =	sbr.ind lr, $3  }
0x3a: {  	_ = 	snop  }
0x3b: {  	_ = 	snop  }
0x3c: {  	p2 =	seq.s32 s10, $0x1;
	s10 =	sld [smem:$0x3FB3]  }
0x3d: {  	_ =	shalt  }
0x3e: {  	_ =	shalt  }
0x3f: {  	_ =	shalt  }
0x40: {  	_ =	shalt  }
0x41: {  	_ =	shalt  }
0x42: {  	_ =	shalt  }
0x43: {  	_ =	shalt  }
0x44: {  	_ =	shalt  }
0x45: {  	_ =	shalt  }
0x46: {  	_ =	shalt  }
0x47: {  	_ =	shalt  }
0x48: {  	_ =	shalt  }
0x49: {  	_ =	shalt  }
0x4a: {  	_ =	shalt  }
0x4b: {  	_ =	shalt  }
0x4c: {  	_ =	shalt  }
0x4d: {  	_ =	shalt  }
0x4e: {  	_ =	shalt  }
0x4f: {  	_ =	shalt  }
0x50: {  	_ =	shalt  }
0x51: {  	_ =	shalt  }
0x52: {  	_ =	shalt  }
0x53: {  	_ =	shalt  }
0x54: {  	_ =	shalt  }
0x55: {  	_ =	shalt  }
0x56: {  	_ =	shalt  }
0x57: {  	_ =	shalt  }
0x58: {  	_ =	shalt  }
0x59: {  	_ =	shalt  }
0x5a: {  	_ =	shalt  }
0x5b: {  	_ =	shalt  }
0x5c: {  	_ =	shalt  }
0x5d: {  	_ =	shalt  }
0x5e: {  	_ =	shalt  }
0x5f: {  	_ =	shalt  }
0x60: {  	_ =	shalt  }
0x61: {  	_ =	shalt  }
0x62: {  	_ =	shalt  }
0x63: {  	_ =	shalt  }
0x64: {  	_ =	shalt  }
0x65: {  	_ =	shalt  }
0x66: {  	_ =	shalt  }
0x67: {  	_ =	shalt  }
0x68: {  	_ =	shalt  }
0x69: {  	_ =	shalt  }
0x6a: {  	_ =	shalt  }
0x6b: {  	_ =	shalt  }
0x6c: {  	_ =	shalt  }
0x6d: {  	_ =	shalt  }
0x6e: {  	_ =	shalt  }
0x6f: {  	_ =	shalt  }
0x70: {  	_ =	shalt  }
0x71: {  	_ =	shalt  }
0x72: {  	_ =	shalt  }
0x73: {  	_ =	shalt  }
0x74: {  	_ =	shalt  }
0x75: {  	_ =	shalt  }
0x76: {  	_ =	shalt  }
0x77: {  	_ =	shalt  }
0x78: {  	_ =	shalt  }
0x79: {  	_ =	shalt  }
0x7a: {  	_ =	shalt  }
0x7b: {  	_ =	shalt  }
0x7c: {  	_ =	shalt  }
0x7d: {  	_ =	shalt  }
0x7e: {  	_ =	shalt  }
0x7f: {  	_ =	shalt  }
0x80: {  	_ =	shalt  }
0x81: {  	_ =	shalt  }
0x82: {  	_ =	shalt  }
0x83: {  	_ =	shalt  }
0x84: {  	_ =	shalt  }
0x85: {  	_ =	shalt  }
0x86: {  	_ =	shalt  }
0x87: {  	_ =	shalt  }
.Lfunc_end0:
.L_simem_size_0:
called_computation.2_lowered:
.L_overlay_start_0:
0x88: {  	s2 =	sld [smem:$0x3FD9]  }
0x89: {  	s3 =	sld [smem:$0x3FFE];
	_ =	sdelay $0x1  }
0x8a: {  	s1 =	srdreg.scid  }
0x8b: {  	s0 =	sand.u32 $0x1, s1  }
0x8c: {  	s17 =	sshll.u32 s0, $0xA;
	s2 =	sadd.s32 s3, s2  }
0x8d: {  	s2 =	sadd.s32 s2, s17  }
0x8e: {  	[smem:$0x3FBF] =	sst s2  }
0x8f: {  	_ = 	snop  }
0x90: {  	s2 =	sld [smem:$0x3FC9];
	(tm) =	ssettm $0x1  }
0x91: {  	s18 =	sld [smem:$0x3FFB];
	_ =	sdelay $0x3  }
0x92: {  	_ =	strace s18  }
0x93: {  	s3 =	sld [smem:$0x3FFC];
	_ =	sdelay $0x3  }
0x94: {  	_ =	strace s3  }
0x95: {  	s3 =	sld [smem:$0x3FFD];
	_ =	sdelay $0x3  }
0x96: {  	_ =	strace s3  }
0x97: {  	_ =	strace $0x8FFFFFFF  }
0x98: {  	s19 =	sld [smem:$0x3FDB];
	_ =	sdelay $0x1  }
0x99: {  	s4 =	simm.s32 $_scs_section_size  }
0x9a: {  	s5 =	simm.s32 $_size__tile_overlayer_lowered;
	s6 =	simm.s32 $_tile_overlayer_lowered  }
0x9b: {  	s22 =	simm.s32 $0x1BFF;
	s21 =	sshll.u32 s6, $0x1;
	s3 =	sadd.s32 s4, s19  }
0x9c: {  	s7 =	simm.s32 $0x0;
	s20 =	sshll.u32 s5, $0x1;
	s5 =	sadd.s32 s21, s3  }
0x9d: {  	[timem:s7], [sflag:s22] =	dma.local [hbm:s5], s20  }
0x9e: {  	_ =	swait.ge [sflag:s22], s20  }
0x9f: {  	s4 =	ssub.s32 $0x0, s20;
	[sflag:s22] =	ssyncset.done $0x0  }
0xa0: {  	[sflag:s22] =	ssyncadd.s32 s4;
	_ =	sdelay $0x1  }
0xa1: {  	s23 =	simm.s32 $0x1B8B  }
0xa2: {  	_ =	swait.ge [sflag:s23], $0x1  }
0xa3: {  	[sflag:s23] =	ssyncset.done $0x0  }
0xa4: {  	s25 =	simm.s32 $0x1B8E;
	s24 =	sld [smem:$0x3FFE];
	[sflag:s23] =	ssyncadd.s32 $0xFFFFFFFF  }
0xa5: {  	s26 =	simm.s32 $execute0_lowered;
	[smem:$0x3FD2] =	sst s25  }
0xa6: {  	s5 =	sshll.u32 s26, $0x1;
	_ =	strace $0x80000046;
	[dreg:$0x1] =	wrdreg $0xFFFFFFFF  }
0xa7: {  	s28 =	simm.s32 $_size_execute0_lowered;
	s3 =	sadd.s32 s3, s5;
	[dreg:$0x0] =	wrdreg $0x0  }
0xa8: {  	s5 =	sshll.u32 s28, $0x1;
	[dreg:$0x2] =	wrdreg s3  }
0xa9: {  	[dreg:$0x3] =	wrdreg s5  }
0xaa: {  	[dreg:$0x4] =	wrdreg $0xC0  }
0xab: {  	_ =	task [dreg:s7], $0x5FFFF  }
0xac: {  	[dreg:$0x1] =	wrdreg $0xFFFFFFFF  }
0xad: {  	[dreg:$0x0] =	wrdreg $0x60  }
0xae: {  	[dreg:$0x2] =	wrdreg s2  }
0xaf: {  	[dreg:$0x3] =	wrdreg s24  }
0xb0: {  	[dreg:$0x4] =	wrdreg $0x9  }
0xb1: {  	_ =	task.clear_ibuf [dreg:s7], $0x5FFFF;
	_ =	strace $0x90000046  }
0xb2: {  	s29 =	simm.s32 $0x9;
	_ =	strace $0x80000048  }
0xb3: {  	_ =	swait.ge [sflag:s29], $0x1  }
0xb4: {  	[sflag:s29] =	ssyncadd.s32 $0xFFFFFFFF  }
0xb5: {  	_ =	strace $0x90000048  }
0xb6: {  	_ =	sfence  }
0xb7: {  	s30 =	sld [smem:$0x0];
	_ =	sdelay $0x2  }
0xb8: {  	s31 =	sshll.u32 s1, $0xD;
	s1 =	sshrl.u32 s1, $0x2  }
0xb9: {  	s3 =	sand.u32 $0x4000, s31;
	s1 =	sadd.s32 s1, s30  }
0xba: {  	s0 =	sor.u32 s3, s0;
	s1 =	sshll.u32 s1, $0x11  }
0xbb: {  	s0 =	sor.u32 s1, s0  }
0xbc: {  	s0 =	sadd.s32 $0x8F2B, s0  }
0xbd: {  	[sflag:s0] =	ssyncadd.remote.s32 $0x1  }
0xbe: {  	_ =	sfence.sel $0xFFFF  }
0xbf: {  	[dreg:$0x0] =	wrdreg $0xFFFFFFFF;
	(pc) =	sbr.abs _section_cstart, $3  }
0xc0: {  	[dreg:$0x1] =	wrdreg $0xFFFFFFFF  }
0xc1: {  	_ =	task.clear_ibuf [dreg:s7], $0x2FFFF;
	_ =	strace $0x9FFFFFFF  }
0xc2: {  	(tm) =	ssettm $0x7FFFFFFF  }
0xc3: {  	_ =	shalt  }
tec
execute0_lowered:
.L_overlay_start_1:
0x0: {  	(tag) =	ssettag $0x1  }
0x1: {  	s4 =	rddreg [dreg:$0x0]  }
0x2: {  	s5 =	rddreg [dreg:$0x1]  }
0x3: {  	s0 =	rddreg [dreg:$0x2];
	s2 =	simm.s32 $0x0  }
0x4: {  	s3 =	srdreg.scid;
	s1 =	stileid.u32;
	s10 =	simm.s32 $0x0  }
0x5: {  	[smem:$0x7FF] =	sst s2;
	s6 =	sand.u32 $0x1, s3;
	s7 =	sshll.u32 s1, $0x1  }
0x6: {  	s3 =	sadd.s32 $0x189200, s5;
	s7 =	sor.u32 s6, s7;
	s6 =	ssub.s32 $0x2, s6  }
0x7: {  	_ =	strace $0x80000047;
	s8 =	sshll.u32 s7, $0xB;
	s9 =	sshrl.u32 s6, $0x1  }
0x8: {  	s7 =	sshll.u32 s7, $0x6;
	s5 =	sadd.s32 s8, s5;
	s6 =	ssub.s32 s6, s9  }
0x9: {  	v0 =	vimm.s32 $0x4E21;
	vm0 =	vcmask $0xF00;
	s4 =	sadd.s32 s4, s7;
	s7 =	simm.s32 $0x2;
	s8 =	simm.s32 $0x200  }
0xa: {  	v0 =	vsel vm0, $0x0, v0;
	s9 =	simm.s32 $0x1;
	s5 =	sadd.s32 $0x2800, s5;
	s6 =	smax.u32 s6, $0x1  }
.LBB2_1:
0xb: {  	[tilespmem:s2], [sflag:$0x2] =	stream.linear.gather [hbm4b:s4+s2], $0x200, $0x38;
	[tilespmem:$0x4200] =	vst v63  }
0xc: {  	_ =	swait.ge [sflag:s7], $0x200  }
0xd: {  	[sflag:s7] =	ssyncset.done $0x0  }
0xe: {  	[sflag:s7] =	ssyncadd.s32 $0xFFFFFE00  }
0xf: {  	[tilespmem:s8], [sflag:$0x1] =	stream.indirect.gather [hbm4b:s3+s8], $0x20, s2, s8, $0xb8;
	[tilespmem:$0x4200] =	vst v63  }
0x10: {  	_ =	swait.ge [sflag:s9], $0x4000  }
0x11: {  	[sflag:s9] =	ssyncset.done $0x0  }
0x12: {  	s11 =	simm.s32 $0x0;
	s12 =	simm.s32 $0x80;
	[sflag:s9] =	ssyncadd.s32 $0xFFFFC000  }
.LBB2_2:
0x13: {  	p0 =	sne.s32 s12, $0xFF80;
	v1 =	vld [tilespmem:s11+$0x210];
	_ =	sdelay $0x1  }
.Ltmp0:
0x14: {  	(pc) =	sbr.rel @p0 .LBB2_2-.Ltmp0, $3  }
0x15: {  	_ =	sdelay $0x1  }
0x16: {  	v1 =	vadd.s32 v0, v1  }
0x17: {  	[tilespmem:s11+$0x210] =	vst v1;
	s11 =	sshra.s32 s12, $0x2;
	s12 =	sadd.s32 $0x80, s12  }
0x18: {  	v1 =	vld [tilespmem:s11+$0x210];
	_ =	sdelay $0x3  }
0x19: {  	s10 =	sadd.s32 $0x1, s10  }
0x1a: {  	p0 =	sne.s32 s10, s6;
	v1 =	vadd.s32 v0, v1  }
.Ltmp1:
0x1b: {  	[tilespmem:s11+$0x210] =	vst v1;
	(pc) =	sbr.rel @p0 .LBB2_1-.Ltmp1, $4  }
0x1c: {  	[hbm4b:s5+s2] =	stream.linear.scatter [tilespmem:s8], [sflag:$0x2], $0x4000, $0x38;
	[tilespmem:$0x4200] =	vst v63  }
0x1d: {  	_ =	swait.ge [sflag:s7], $0x4000  }
0x1e: {  	[sflag:s7] =	ssyncset.done $0x0  }
0x1f: {  	[sflag:s7] =	ssyncadd.s32 $0xFFFFC000  }
0x20: {  	_ =	sfence.sel $0x180000  }
0x21: {  	[bflag:$0x0] =	sbarrier.arrive $0xFFFF  }
0x22: {  	p0 =	sne.s32 s1, $0x0;
	_ =	strace $0x90000047  }
0x23: {  	s0 =	sadd.s32 @!p0 $0x100000, s0;
	[bflag:$0x2] =	sbarrier.arrive $0xFFFF  }
0x24: {  	[sflag:s0] =	ssyncadd.tile.s32 @!p0 $0x1;
	_ =	shalt  }
.Lfunc_end2:
_tile_overlayer_lowered:
.L_overlay_start_2:
0x25: {  	(tag) =	ssettag $0x2  }
0x26: {  	s0 =	rddreg [dreg:$0x0];
	s2 =	stileid.u32  }
0x27: {  	s1 =	rddreg [dreg:$0x1];
	p0 =	sne.s32 s2, $0x0  }
0x28: {  	s3 =	rddreg [dreg:$0x2];
	[bflag:$0x3] =	sbarrier.arrive $0xFFFF;
	s2 =	simm.s32 @!p0 $0x1C02  }
0x29: {  	[timem:s3], [sflag:s2] =	dma.local @!p0 [hbm:s0], s1  }
0x2a: {  	s0 =	simm.s32 @!p0 $0x2  }
0x2b: {  	_ =	swait.ge @!p0 [sflag:s0], s1  }
0x2c: {  	s1 =	ssub.s32 @!p0 $0x0, s1;
	[sflag:s0] =	ssyncset.done @!p0 $0x0  }
0x2d: {  	[sflag:s0] =	ssyncadd.s32 @!p0 s1  }
0x2e: {  	[bflag:$0x3] =	sbarrier.arrive $0xFFFF  }
0x2f: {  	_ =	shalt  }

// kernel: sparse-core-data-format-call.1.cloned.1.call-start
scs
called_computation.1_lowered:
.L_overlay_start_0:
0x0: {  	s2 =	sld [smem:$0x3FD9]  }
0x1: {  	s3 =	sld [smem:$0x3FFE];
	_ =	sdelay $0x1  }
0x2: {  	s1 =	srdreg.scid  }
0x3: {  	s0 =	sand.u32 $0x1, s1  }
0x4: {  	s18 =	sshll.u32 s0, $0xA;
	s2 =	sadd.s32 s3, s2  }
0x5: {  	s2 =	sadd.s32 s2, s18  }
0x6: {  	[smem:$0x3FBF] =	sst s2  }
0x7: {  	_ = 	snop  }
0x8: {  	(tm) =	ssettm $0x1  }
0x9: {  	s19 =	sld [smem:$0x3FFB];
	_ =	sdelay $0x3  }
0xa: {  	_ =	strace s19  }
0xb: {  	s2 =	sld [smem:$0x3FFC];
	_ =	sdelay $0x3  }
0xc: {  	_ =	strace s2  }
0xd: {  	s2 =	sld [smem:$0x3FFD];
	_ =	sdelay $0x3  }
0xe: {  	_ =	strace s2  }
0xf: {  	_ =	strace $0x8FFFFFFF  }
0x10: {  	s20 =	sld [smem:$0x3FDB];
	_ =	sdelay $0x1  }
0x11: {  	s21 =	simm.s32 $_scs_section_size  }
0x12: {  	s4 =	simm.s32 $_size__tile_overlayer_lowered;
	s5 =	simm.s32 $_tile_overlayer_lowered  }
0x13: {  	s6 =	simm.s32 $0x1BFF;
	s22 =	sshll.u32 s5, $0x1;
	s3 =	sadd.s32 s21, s20  }
0x14: {  	s23 =	simm.s32 $0x0;
	s4 =	sshll.u32 s4, $0x1;
	s5 =	sadd.s32 s22, s3  }
0x15: {  	[timem:s23], [sflag:s6] =	dma.local [hbm:s5], s4  }
0x16: {  	_ =	swait.ge [sflag:s6], s4  }
0x17: {  	s4 =	ssub.s32 $0x0, s4;
	[sflag:s6] =	ssyncset.done $0x0  }
0x18: {  	[sflag:s6] =	ssyncadd.s32 s4;
	_ =	sdelay $0x1  }
0x19: {  	s24 =	simm.s32 $0x1B8B  }
0x1a: {  	_ =	swait.ge [sflag:s24], $0x1  }
0x1b: {  	[sflag:s24] =	ssyncset.done $0x0  }
0x1c: {  	[sflag:s24] =	ssyncadd.s32 $0xFFFFFFFF  }
0x1d: {  	s4 =	sld [smem:$0x0]  }
0x1e: {  	s5 =	sand.u32 $0xFFFFFFFE, s1  }
0x1f: {  	p0 =	sne.s32 s1, s5  }
0x20: {  	s5 =	sshll.u32 @p0 s5, $0xE  }
0x21: {  	s5 =	sadd.s32 @p0 $0x11B8D, s5;
	s6 =	sshll.u32 @p0 s4, $0x11  }
0x22: {  	s5 =	sor.u32 @p0 s6, s5  }
0x23: {  	[sflag:s5] =	ssyncadd.remote.s32 @p0 $0x1;
	_ =	sdelay $0x1  }
0x24: {  	s5 =	simm.s32 @p0 $0x1B8D  }
0x25: {  	_ =	swait.eq @p0 [sflag:s5], $0x1  }
0x26: {  	[sflag:s5] =	ssyncadd.s32 @p0 $0xFFFFFFFF  }
0x27: {  	s6 =	sshll.u32 @!p0 s1, $0xE  }
0x28: {  	s6 =	sor.u32 @!p0 $0x4000, s6;
	s5 =	simm.s32 @!p0 $0x1B8D  }
0x29: {  	s4 =	sshll.u32 @!p0 s4, $0x11;
	s6 =	sadd.s32 @!p0 $0x11B8D, s6;
	_ =	swait.eq @!p0 [sflag:s5], $0x1  }
0x2a: {  	s4 =	sor.u32 @!p0 s4, s6;
	[sflag:s5] =	ssyncadd.s32 @!p0 $0xFFFFFFFF  }
0x2b: {  	s26 =	simm.s32 $0x1B8E;
	s25 =	sld [smem:$0x3FFE];
	[sflag:s4] =	ssyncadd.remote.s32 @!p0 $0x1  }
0x2c: {  	s27 =	simm.s32 $execute0_lowered;
	[smem:$0x3FD2] =	sst s26  }
0x2d: {  	s5 =	sshll.u32 s27, $0x1;
	_ =	strace $0x8000004F;
	[dreg:$0x1] =	wrdreg $0xFFFFFFFF  }
0x2e: {  	s28 =	simm.s32 $_size_execute0_lowered;
	s3 =	sadd.s32 s3, s5;
	[dreg:$0x0] =	wrdreg $0x0  }
0x2f: {  	s5 =	sshll.u32 s28, $0x1;
	[dreg:$0x2] =	wrdreg s3  }
0x30: {  	[dreg:$0x3] =	wrdreg s5  }
0x31: {  	[dreg:$0x4] =	wrdreg $0xC0  }
0x32: {  	_ =	task [dreg:s23], $0x5FFFF  }
0x33: {  	[dreg:$0x1] =	wrdreg $0xFFFFFFFF  }
0x34: {  	[dreg:$0x0] =	wrdreg $0x60  }
0x35: {  	[dreg:$0x2] =	wrdreg s25  }
0x36: {  	[dreg:$0x3] =	wrdreg $0x9  }
0x37: {  	_ =	task.clear_ibuf [dreg:s23], $0x4FFFF;
	_ =	strace $0x9000004F  }
0x38: {  	s29 =	simm.s32 $0x9;
	_ =	strace $0x80000051  }
0x39: {  	_ =	swait.ge [sflag:s29], $0x1  }
0x3a: {  	[sflag:s29] =	ssyncadd.s32 $0xFFFFFFFF  }
0x3b: {  	_ =	strace $0x90000051  }
0x3c: {  	_ =	sfence  }
0x3d: {  	s30 =	sld [smem:$0x0];
	_ =	sdelay $0x2  }
0x3e: {  	s31 =	sshll.u32 s1, $0xD;
	s1 =	sshrl.u32 s1, $0x2  }
0x3f: {  	s4 =	sand.u32 $0x4000, s31;
	s1 =	sadd.s32 s1, s30  }
0x40: {  	s0 =	sor.u32 s4, s0;
	s1 =	sshll.u32 s1, $0x11  }
0x41: {  	s0 =	sor.u32 s1, s0  }
0x42: {  	s0 =	sadd.s32 $0x8F2B, s0  }
0x43: {  	[sflag:s0] =	ssyncadd.remote.s32 $0x1  }
0x44: {  	_ =	sfence.sel $0xFFFF  }
0x45: {  	[dreg:$0x0] =	wrdreg $0xFFFFFFFF;
	(pc) =	sbr.abs _section_cstart, $3  }
0x46: {  	[dreg:$0x1] =	wrdreg $0xFFFFFFFF  }
0x47: {  	_ =	task.clear_ibuf [dreg:s23], $0x2FFFF;
	_ =	strace $0x9FFFFFFF  }
0x48: {  	(tm) =	ssettm $0x7FFFFFFF  }
0x49: {  	_ =	shalt  }
tec
execute0_lowered:
.L_overlay_start_1:
0x0: {  	(tag) =	ssettag $0x1  }
0x1: {  	s0 =	srdreg.scid  }
0x2: {  	s1 =	sshll.u32 s0, $0x4  }
0x3: {  	s4 =	rddreg [dreg:$0x0];
	s0 =	stileid.u32;
	s1 =	sand.u32 $0x10, s1  }
0x4: {  	s7 =	simm.s32 $0x1;
	s8 =	simm.s32 $0x2;
	s1 =	sor.u32 s0, s1  }
0x5: {  	s9 =	simm.s32 $0x0;
	s12 =	simm.s32 $0x0;
	s2 =	sshll.u32 s1, $0x4  }
0x6: {  	s11 =	simm.s32 $0x0;
	s3 =	sadd.s32 $0x2800, s4;
	s6 =	ssub.s32 $0x2000, s2  }
.Ltmp0:
0x7: {  	s4 =	sadd.s32 $0x212800, s4;
	s5 =	sand.u32 $0x1F0, s6;
	(pc) =	sbr.rel .LBB1_1-.Ltmp0, $4  }
0x8: {  	s1 =	rddreg [dreg:$0x1];
	_ =	strace $0x80000050;
	p0 =	sne.s32 s5, $0x0  }
0x9: {  	s6 =	sshrl.u32 s6, $0x9;
	s5 =	simm.s32 $0x1;
	s7 =	simm.s32 @!p0 $0x0  }
0xa: {  	s10 =	smov.u32 s2;
	[sflag:s5] =	ssyncpa.u1 $0x0;
	s6 =	sadd.s32 s7, s6  }
0xb: {  	[sflag:s8] =	ssyncpa.u1 $0x0;
	s8 =	simm.s32 $0x0;
	s7 =	sadd.s32 $0x1, s6  }
.LBB1_7:
0xc: {  	s14 =	sadd.s32 $0x200, s10  }
0xd: {  	p1 =	sgt.s32 s14, $0x1FFF  }
0xe: {  	s14 =	smov.u32 @p1 s2;
	p1 =	sne.s32 s11, s7  }
.Ltmp1:
0xf: {  	p0 =	slt.u32 s11, $0x2;
	(pc) =	sbr.rel @!p1 .LBB1_8-.Ltmp1, $4  }
0x10: {  	s13 =	simm.s32 @!p0 $0x2  }
0x11: {  	s15 =	sadd.s32 $0x1, s11;
	_ =	swait.ge @!p0 [sflag:s13], $0x4000  }
0x12: {  	s12 =	smov.u32 s10;
	s9 =	sadd.s32 $0x8000, s9;
	[sflag:s13] =	ssyncset.done @!p0 $0x0  }
0x13: {  	s11 =	smov.u32 s15;
	s10 =	smov.u32 s14;
	[sflag:s13] =	ssyncadd.s32 @!p0 $0xFFFFC000  }
.LBB1_1:
0x14: {  	p0 =	sge.u32 s11, s6  }
0x15: {  	s13 =	sxor.u32 @!p0 $0xFFFFFFFF, s11  }
0x16: {  	s31 =	sadd.s32 $0xFFFFFFFF, s11;
	s14 =	sshll.u32 @!p0 s10, $0x7;
	s13 =	sshll.u32 @!p0 s13, $0xE  }
0x17: {  	s15 =	simm.s32 @!p0 $0x0;
	s14 =	sadd.s32 @!p0 s3, s14;
	s13 =	sand.u32 @!p0 $0x4000, s13  }
0x18: {  	[tilespmem:s13], [sflag:$0x1] =	stream.linear.gather @!p0 [hbm4b:s14+s15], $0x4000, $0x38;
	[tilespmem:$0x10000] =	vst v63  }
0x19: {  	p0 =	sge.u32 s31, s6  }
.Ltmp2:
0x1a: {  	_ = 	snop;
	(pc) =	sbr.rel @p0 .LBB1_7-.Ltmp2, $1  }
0x1b: {  	_ =	sdelay $0x3  }
0x1c: {  	s13 =	sshrl.u32 s9, $0x1;
	_ =	swait.ge [sflag:s5], $0x4000  }
0x1d: {  	s15 =	sshll.u32 s11, $0xE;
	s16 =	simm.s32 $0x0;
	s14 =	sand.u32 $0x4000, s13  }
0x1e: {  	[sflag:s5] =	ssyncset.done $0x0;
	s15 =	sand.u32 $0x4000, s15;
	s13 =	sor.u32 $0x200, s14  }
0x1f: {  	s14 =	sor.u32 $0x8080, s14;
	[sflag:s5] =	ssyncadd.s32 $0xFFFFC000;
	s15 =	sor.u32 $0x8000, s15  }
.LBB1_3:
0x20: {  	v0 =	vld [tilespmem:s13+$0xFFFFFE70]  }
0x21: {  	v1 =	vld [tilespmem:s13+$0x70]  }
0x22: {  	v2 =	vld [tilespmem:s13+$0x0]  }
0x23: {  	v3 =	vld [tilespmem:s13+$0xFFFFFE10]  }
0x24: {  	v4 =	vld [tilespmem:s13+$0x10]  }
0x25: {  	v5 =	vld [tilespmem:s13+$0xFFFFFE20]  }
0x26: {  	v7 =	vld [tilespmem:s13+$0x20]  }
0x27: {  	v11 =	vld [tilespmem:s13+$0x30];
	v6 =	vunpack.i.l.s16.s32 v0;
	v8 =	vunpack.i.u.s16.s32 v0;
	v9 =	vunpack.i.u.s16.s32 v1  }
0x28: {  	v10 =	vunpack.i.l.s16.s32 v1;
	v0 =	vunpack.i.u.s16.s32 v2;
	v1 =	vunpack.i.l.s16.s32 v2;
	v2 =	vld [tilespmem:s13+$0xFFFFFE30]  }
0x29: {  	v8 =	vpack.i.b32.b16 v9, v8;
	v9 =	vunpack.i.u.s16.s32 v3;
	v3 =	vunpack.i.l.s16.s32 v3  }
0x2a: {  	v12 =	vld [tilespmem:s13+$0xFFFFFE40];
	v6 =	vpack.i.b32.b16 v10, v6;
	[tilespmem:s14+$0x70] =	vst v8;
	v8 =	vunpack.i.u.s16.s32 v4;
	v4 =	vunpack.i.l.s16.s32 v4  }
0x2b: {  	v13 =	vld [tilespmem:s13+$0x40];
	v10 =	vunpack.i.u.s16.s32 v5;
	v5 =	vunpack.i.l.s16.s32 v5;
	[tilespmem:s14+$0xFFFFFFF0] =	vst v6;
	v3 =	vpack.i.b32.b16 v4, v3  }
0x2c: {  	v6 =	vunpack.i.l.s16.s32 v7;
	v4 =	vld [tilespmem:s13+$0xFFFFFE50];
	[tilespmem:s14+$0xFFFFFF90] =	vst v3;
	v3 =	vpack.i.b32.b16 v8, v9;
	v8 =	vunpack.i.u.s16.s32 v7  }
0x2d: {  	v7 =	vunpack.i.l.s16.s32 v11;
	[tilespmem:s14+$0x10] =	vst v3;
	v3 =	vpack.i.b32.b16 v6, v5;
	v9 =	vunpack.i.u.s16.s32 v2;
	v6 =	vld [tilespmem:s13+$0x50]  }
0x2e: {  	v5 =	vunpack.i.l.s16.s32 v2;
	v2 =	vld [tilespmem:s13+$0xFFFFFE60];
	[tilespmem:s14+$0xFFFFFFA0] =	vst v3;
	v3 =	vpack.i.b32.b16 v8, v10;
	v10 =	vunpack.i.u.s16.s32 v11  }
0x2f: {  	s19 =	simm.s32 $0x0;
	v11 =	vpack.i.b32.b16 v7, v5;
	v7 =	vunpack.i.u.s16.s32 v12;
	v8 =	vunpack.i.l.s16.s32 v12;
	[tilespmem:s14+$0x20] =	vst v3;
	v3 =	vld [tilespmem:s13+$0x60]  }
0x30: {  	s20 =	sadd.s32 $0x80, s13;
	s18 =	smov.u32 s14;
	s17 =	smov.u32 s14;
	v5 =	vld [tilespmem:s13+$0xFFFFFE00];
	[tilespmem:s14+$0xFFFFFFB0] =	vst v11;
	v10 =	vpack.i.b32.b16 v10, v9;
	v9 =	vunpack.i.u.s16.s32 v13;
	v11 =	vunpack.i.l.s16.s32 v13  }
.LBB1_4:
0x31: {  	v12 =	vld [tilespmem:s20+$0xFFFFFE70];
	[tilespmem:s18+$0x30] =	vst v10;
	v8 =	vpack.i.b32.b16 v11, v8;
	v10 =	vunpack.i.u.s16.s32 v4;
	v4 =	vunpack.i.l.s16.s32 v4  }
0x32: {  	s19 =	sadd.s32 $0x2, s19;
	v7 =	vpack.i.b32.b16 v9, v7;
	v11 =	vld [tilespmem:s20+$0x70];
	[tilespmem:s18+$0xFFFFFFC0] =	vst v8;
	v8 =	vunpack.i.u.s16.s32 v6;
	v6 =	vunpack.i.l.s16.s32 v6  }
0x33: {  	p0 =	slt.u32 s19, $0x6;
	v9 =	vld [tilespmem:s20+$0x0];
	[tilespmem:s18+$0x40] =	vst v7;
	v4 =	vpack.i.b32.b16 v6, v4;
	v6 =	vunpack.i.u.s16.s32 v2;
	v2 =	vunpack.i.l.s16.s32 v2  }
0x34: {  	v7 =	vld [tilespmem:s20+$0xFFFFFE10];
	[tilespmem:s18+$0xFFFFFFD0] =	vst v4;
	v4 =	vpack.i.b32.b16 v8, v10;
	v8 =	vunpack.i.u.s16.s32 v3;
	v3 =	vunpack.i.l.s16.s32 v3  }
0x35: {  	v10 =	vld [tilespmem:s20+$0x10];
	v13 =	vunpack.i.u.s16.s32 v5;
	v5 =	vunpack.i.l.s16.s32 v5;
	[tilespmem:s18+$0x50] =	vst v4;
	v2 =	vpack.i.b32.b16 v3, v2  }
0x36: {  	v3 =	vld [tilespmem:s20+$0xFFFFFE20];
	v4 =	vunpack.i.l.s16.s32 v12;
	v1 =	vpack.i.b32.b16 v1, v5;
	v5 =	vpack.i.b32.b16 v0, v13;
	[tilespmem:s18+$0xFFFFFFE0] =	vst v2  }
0x37: {  	v12 =	vunpack.i.u.s16.s32 v12;
	v2 =	vld [tilespmem:s20+$0x20];
	v13 =	vunpack.i.u.s16.s32 v11;
	v11 =	vunpack.i.l.s16.s32 v11;
	[tilespmem:s18+$0xFFFFFF80] =	vst v1  }
0x38: {  	s18 =	sadd.s32 $0x100, s18;
	v0 =	vunpack.i.u.s16.s32 v9;
	v1 =	vunpack.i.l.s16.s32 v9;
	v9 =	vld [tilespmem:s20+$0xFFFFFE30];
	v12 =	vpack.i.b32.b16 v13, v12;
	[tilespmem:s17+$0x0] =	vst v5  }
0x39: {  	v6 =	vpack.i.b32.b16 v8, v6;
	v5 =	vunpack.i.u.s16.s32 v7;
	v7 =	vunpack.i.l.s16.s32 v7;
	v13 =	vld [tilespmem:s20+$0x30];
	[tilespmem:s18+$0x70] =	vst v12  }
0x3a: {  	v4 =	vpack.i.b32.b16 v11, v4;
	v8 =	vunpack.i.u.s16.s32 v10;
	v10 =	vunpack.i.l.s16.s32 v10;
	v12 =	vld [tilespmem:s20+$0xFFFFFE40];
	[tilespmem:s17+$0x60] =	vst v6;
	s17 =	smov.u32 s18  }
0x3b: {  	v6 =	vpack.i.b32.b16 v10, v7;
	v7 =	vunpack.i.u.s16.s32 v3;
	v3 =	vunpack.i.l.s16.s32 v3;
	v11 =	vld [tilespmem:s20+$0x40];
	[tilespmem:s18+$0xFFFFFFF0] =	vst v4  }
.Ltmp3:
0x3c: {  	v5 =	vpack.i.b32.b16 v8, v5;
	[tilespmem:s18+$0xFFFFFF90] =	vst v6;
	v8 =	vunpack.i.u.s16.s32 v2;
	v2 =	vunpack.i.l.s16.s32 v2;
	v4 =	vld [tilespmem:s20+$0xFFFFFE50];
	(pc) =	sbr.rel @p0 .LBB1_4-.Ltmp3, $4  }
0x3d: {  	[tilespmem:s18+$0x10] =	vst v5;
	v2 =	vpack.i.b32.b16 v2, v3;
	v10 =	vunpack.i.u.s16.s32 v9;
	v3 =	vunpack.i.l.s16.s32 v9;
	v6 =	vld [tilespmem:s20+$0x50]  }
0x3e: {  	v5 =	vpack.i.b32.b16 v8, v7;
	[tilespmem:s18+$0xFFFFFFA0] =	vst v2;
	v9 =	vunpack.i.u.s16.s32 v13;
	v7 =	vunpack.i.l.s16.s32 v13;
	v2 =	vld [tilespmem:s20+$0xFFFFFE60]  }
0x3f: {  	[tilespmem:s18+$0x20] =	vst v5;
	v13 =	vpack.i.b32.b16 v7, v3;
	v7 =	vunpack.i.u.s16.s32 v12;
	v8 =	vunpack.i.l.s16.s32 v12;
	v3 =	vld [tilespmem:s20+$0x60]  }
0x40: {  	v10 =	vpack.i.b32.b16 v9, v10;
	v5 =	vld [tilespmem:s20+$0xFFFFFE00];
	[tilespmem:s18+$0xFFFFFFB0] =	vst v13;
	v9 =	vunpack.i.u.s16.s32 v11;
	v11 =	vunpack.i.l.s16.s32 v11;
	s20 =	sadd.s32 $0x80, s20  }
0x41: {  	[tilespmem:s18+$0x30] =	vst v10;
	v8 =	vpack.i.b32.b16 v11, v8  }
0x42: {  	v51 =	vunpack.i.l.s16.s32 v4;
	v7 =	vpack.i.b32.b16 v9, v7;
	[tilespmem:s18+$0xFFFFFFC0] =	vst v8;
	v52 =	vunpack.i.l.s16.s32 v6  }
0x43: {  	v53 =	vunpack.i.u.s16.s32 v4;
	s16 =	sadd.s32 $0x1, s16;
	v54 =	vunpack.i.u.s16.s32 v6;
	[tilespmem:s18+$0x40] =	vst v7;
	v55 =	vpack.i.b32.b16 v52, v51  }
0x44: {  	p0 =	sne.s32 s16, $0x10;
	v56 =	vunpack.i.l.s16.s32 v2;
	v4 =	vpack.i.b32.b16 v54, v53;
	[tilespmem:s18+$0xFFFFFFD0] =	vst v55;
	v57 =	vunpack.i.l.s16.s32 v3  }
.Ltmp4:
0x45: {  	[tilespmem:s18+$0x50] =	vst v4;
	v58 =	vunpack.i.l.s16.s32 v5;
	v59 =	vpack.i.b32.b16 v57, v56;
	(pc) =	sbr.rel @p0 .LBB1_3-.Ltmp4, $4  }
0x46: {  	v61 =	vunpack.i.u.s16.s32 v2;
	v62 =	vunpack.i.u.s16.s32 v3;
	v1 =	vpack.i.b32.b16 v1, v58;
	[tilespmem:s18+$0xFFFFFFE0] =	vst v59  }
0x47: {  	v60 =	vunpack.i.u.s16.s32 v5;
	v63 =	vpack.i.b32.b16 v62, v61;
	[tilespmem:s18+$0xFFFFFF80] =	vst v1  }
0x48: {  	v0 =	vpack.i.b32.b16 v0, v60;
	[tilespmem:s17+$0x60] =	vst v63  }
0x49: {  	s13 =	sadd.s32 $0x400, s13;
	s14 =	sadd.s32 $0x400, s14;
	[tilespmem:s17+$0x0] =	vst v0  }
.Ltmp5:
0x4a: {  	(pc) =	sbr.rel .LBB1_7-.Ltmp5, $4  }
0x4b: {  	_ = 	snop  }
0x4c: {  	s12 =	sshll.u32 s12, $0x7  }
0x4d: {  	s12 =	sadd.s32 s4, s12  }
0x4e: {  	[hbm4b:s12+s8] =	stream.linear.scatter [tilespmem:s15], [sflag:$0x2], $0x4000, $0x38;
	[tilespmem:$0x10000] =	vst v63  }
.LBB1_8:
0x4f: {  	_ =	sfence.sel $0x180000  }
0x50: {  	s2 =	simm.s32 $0x1;
	[bflag:$0x0] =	sbarrier.arrive $0xFFFF  }
0x51: {  	s31 =	simm.s32 $0x2;
	[sflag:s2] =	ssyncpa.u1 $0x1  }
0x52: {  	[sflag:s31] =	ssyncpa.u1 $0x1  }
0x53: {  	p0 =	sne.s32 s0, $0x0;
	_ =	strace $0x90000050  }
0x54: {  	s0 =	sadd.s32 @!p0 $0x100000, s1;
	[bflag:$0x2] =	sbarrier.arrive $0xFFFF  }
0x55: {  	[sflag:s0] =	ssyncadd.tile.s32 @!p0 $0x1;
	_ =	shalt  }
.Lfunc_end1:
_tile_overlayer_lowered:
.L_overlay_start_2:
0x56: {  	(tag) =	ssettag $0x2  }
0x57: {  	s0 =	rddreg [dreg:$0x0];
	s2 =	stileid.u32  }
0x58: {  	s1 =	rddreg [dreg:$0x1];
	p0 =	sne.s32 s2, $0x0  }
0x59: {  	s3 =	rddreg [dreg:$0x2];
	[bflag:$0x3] =	sbarrier.arrive $0xFFFF;
	s2 =	simm.s32 @!p0 $0x1C01  }
0x5a: {  	[timem:s3], [sflag:s2] =	dma.local @!p0 [hbm:s0], s1  }
0x5b: {  	s0 =	simm.s32 @!p0 $0x1  }
0x5c: {  	_ =	swait.ge @!p0 [sflag:s0], s1  }
0x5d: {  	s1 =	ssub.s32 @!p0 $0x0, s1;
	[sflag:s0] =	ssyncset.done @!p0 $0x0  }
0x5e: {  	[sflag:s0] =	ssyncadd.s32 @!p0 s1  }
0x5f: {  	[bflag:$0x3] =	sbarrier.arrive $0xFFFF  }
0x60: {  	_ =	shalt  }

// kernel: sparse-core-data-format-call.cloned.1.call-start
scs
called_computation_lowered:
.L_overlay_start_0:
0x0: {  	s2 =	sld [smem:$0x3FD9]  }
0x1: {  	s3 =	sld [smem:$0x3FFE];
	_ =	sdelay $0x1  }
0x2: {  	s1 =	srdreg.scid  }
0x3: {  	s0 =	sand.u32 $0x1, s1  }
0x4: {  	s18 =	sshll.u32 s0, $0xA;
	s2 =	sadd.s32 s3, s2  }
0x5: {  	s2 =	sadd.s32 s2, s18  }
0x6: {  	[smem:$0x3FBF] =	sst s2  }
0x7: {  	_ = 	snop  }
0x8: {  	(tm) =	ssettm $0x1  }
0x9: {  	s19 =	sld [smem:$0x3FFB];
	_ =	sdelay $0x3  }
0xa: {  	_ =	strace s19  }
0xb: {  	s2 =	sld [smem:$0x3FFC];
	_ =	sdelay $0x3  }
0xc: {  	_ =	strace s2  }
0xd: {  	s2 =	sld [smem:$0x3FFD];
	_ =	sdelay $0x3  }
0xe: {  	_ =	strace s2  }
0xf: {  	_ =	strace $0x8FFFFFFF  }
0x10: {  	s20 =	sld [smem:$0x3FDB];
	_ =	sdelay $0x1  }
0x11: {  	s21 =	simm.s32 $_scs_section_size  }
0x12: {  	s4 =	simm.s32 $_size__tile_overlayer_lowered;
	s5 =	simm.s32 $_tile_overlayer_lowered  }
0x13: {  	s6 =	simm.s32 $0x1BFF;
	s22 =	sshll.u32 s5, $0x1;
	s3 =	sadd.s32 s21, s20  }
0x14: {  	s23 =	simm.s32 $0x0;
	s4 =	sshll.u32 s4, $0x1;
	s5 =	sadd.s32 s22, s3  }
0x15: {  	[timem:s23], [sflag:s6] =	dma.local [hbm:s5], s4  }
0x16: {  	_ =	swait.ge [sflag:s6], s4  }
0x17: {  	s4 =	ssub.s32 $0x0, s4;
	[sflag:s6] =	ssyncset.done $0x0  }
0x18: {  	[sflag:s6] =	ssyncadd.s32 s4;
	_ =	sdelay $0x1  }
0x19: {  	s24 =	simm.s32 $0x1B8B  }
0x1a: {  	_ =	swait.ge [sflag:s24], $0x1  }
0x1b: {  	[sflag:s24] =	ssyncset.done $0x0  }
0x1c: {  	[sflag:s24] =	ssyncadd.s32 $0xFFFFFFFF  }
0x1d: {  	s4 =	sld [smem:$0x0]  }
0x1e: {  	s5 =	sand.u32 $0xFFFFFFFE, s1  }
0x1f: {  	p0 =	sne.s32 s1, s5  }
0x20: {  	s5 =	sshll.u32 @p0 s5, $0xE  }
0x21: {  	s5 =	sadd.s32 @p0 $0x11B8D, s5;
	s6 =	sshll.u32 @p0 s4, $0x11  }
0x22: {  	s5 =	sor.u32 @p0 s6, s5  }
0x23: {  	[sflag:s5] =	ssyncadd.remote.s32 @p0 $0x1;
	_ =	sdelay $0x1  }
0x24: {  	s5 =	simm.s32 @p0 $0x1B8D  }
0x25: {  	_ =	swait.eq @p0 [sflag:s5], $0x1  }
0x26: {  	[sflag:s5] =	ssyncadd.s32 @p0 $0xFFFFFFFF  }
0x27: {  	s6 =	sshll.u32 @!p0 s1, $0xE  }
0x28: {  	s6 =	sor.u32 @!p0 $0x4000, s6;
	s5 =	simm.s32 @!p0 $0x1B8D  }
0x29: {  	s4 =	sshll.u32 @!p0 s4, $0x11;
	s6 =	sadd.s32 @!p0 $0x11B8D, s6;
	_ =	swait.eq @!p0 [sflag:s5], $0x1  }
0x2a: {  	s4 =	sor.u32 @!p0 s4, s6;
	[sflag:s5] =	ssyncadd.s32 @!p0 $0xFFFFFFFF  }
0x2b: {  	s26 =	simm.s32 $0x1B8E;
	s25 =	sld [smem:$0x3FFE];
	[sflag:s4] =	ssyncadd.remote.s32 @!p0 $0x1  }
0x2c: {  	s27 =	simm.s32 $execute0_lowered;
	[smem:$0x3FD2] =	sst s26  }
0x2d: {  	s5 =	sshll.u32 s27, $0x1;
	_ =	strace $0x80000052;
	[dreg:$0x1] =	wrdreg $0xFFFFFFFF  }
0x2e: {  	s28 =	simm.s32 $_size_execute0_lowered;
	s3 =	sadd.s32 s3, s5;
	[dreg:$0x0] =	wrdreg $0x0  }
0x2f: {  	s5 =	sshll.u32 s28, $0x1;
	[dreg:$0x2] =	wrdreg s3  }
0x30: {  	[dreg:$0x3] =	wrdreg s5  }
0x31: {  	[dreg:$0x4] =	wrdreg $0xC0  }
0x32: {  	_ =	task [dreg:s23], $0x5FFFF  }
0x33: {  	[dreg:$0x1] =	wrdreg $0xFFFFFFFF  }
0x34: {  	[dreg:$0x0] =	wrdreg $0x60  }
0x35: {  	[dreg:$0x2] =	wrdreg s25  }
0x36: {  	[dreg:$0x3] =	wrdreg $0xA  }
0x37: {  	_ =	task.clear_ibuf [dreg:s23], $0x4FFFF;
	_ =	strace $0x90000052  }
0x38: {  	s29 =	simm.s32 $0xA;
	_ =	strace $0x80000054  }
0x39: {  	_ =	swait.ge [sflag:s29], $0x1  }
0x3a: {  	[sflag:s29] =	ssyncadd.s32 $0xFFFFFFFF  }
0x3b: {  	_ =	strace $0x90000054  }
0x3c: {  	_ =	sfence  }
0x3d: {  	s30 =	sld [smem:$0x0];
	_ =	sdelay $0x2  }
0x3e: {  	s31 =	sshll.u32 s1, $0xD;
	s1 =	sshrl.u32 s1, $0x2  }
0x3f: {  	s4 =	sand.u32 $0x4000, s31;
	s1 =	sadd.s32 s1, s30  }
0x40: {  	s0 =	sor.u32 s4, s0;
	s1 =	sshll.u32 s1, $0x11  }
0x41: {  	s0 =	sor.u32 s1, s0  }
0x42: {  	s0 =	sadd.s32 $0x8F2B, s0  }
0x43: {  	[sflag:s0] =	ssyncadd.remote.s32 $0x1  }
0x44: {  	_ =	sfence.sel $0xFFFF  }
0x45: {  	[dreg:$0x0] =	wrdreg $0xFFFFFFFF;
	(pc) =	sbr.abs _section_cstart, $3  }
0x46: {  	[dreg:$0x1] =	wrdreg $0xFFFFFFFF  }
0x47: {  	_ =	task.clear_ibuf [dreg:s23], $0x2FFFF;
	_ =	strace $0x9FFFFFFF  }
0x48: {  	(tm) =	ssettm $0x7FFFFFFF  }
0x49: {  	_ =	shalt  }
tec
execute0_lowered:
.L_overlay_start_1:
0x0: {  	(tag) =	ssettag $0x1  }
0x1: {  	s0 =	srdreg.scid  }
0x2: {  	s1 =	sshll.u32 s0, $0x4  }
0x3: {  	s4 =	rddreg [dreg:$0x0];
	s0 =	stileid.u32;
	s1 =	sand.u32 $0x10, s1  }
0x4: {  	s7 =	simm.s32 $0x1;
	s8 =	simm.s32 $0x2;
	s2 =	sor.u32 s0, s1  }
0x5: {  	s9 =	simm.s32 $0x0;
	s12 =	simm.s32 $0x0;
	s2 =	sshll.u32 s2, $0x4  }
0x6: {  	s11 =	simm.s32 $0x0;
	s3 =	sadd.s32 $0x102800, s4;
	s6 =	ssub.s32 $0x2000, s2  }
.Ltmp0:
0x7: {  	s4 =	sadd.s32 $0x312800, s4;
	s5 =	sand.u32 $0x1F0, s6;
	(pc) =	sbr.rel .LBB1_1-.Ltmp0, $4  }
0x8: {  	s1 =	rddreg [dreg:$0x1];
	_ =	strace $0x80000053;
	p0 =	sne.s32 s5, $0x0  }
0x9: {  	s6 =	sshrl.u32 s6, $0x9;
	s5 =	simm.s32 $0x1;
	s7 =	simm.s32 @!p0 $0x0  }
0xa: {  	s10 =	smov.u32 s2;
	[sflag:s5] =	ssyncpa.u1 $0x0;
	s6 =	sadd.s32 s7, s6  }
0xb: {  	[sflag:s8] =	ssyncpa.u1 $0x0;
	s8 =	simm.s32 $0x0;
	s7 =	sadd.s32 $0x1, s6  }
.LBB1_7:
0xc: {  	s14 =	sadd.s32 $0x200, s10  }
0xd: {  	p1 =	sgt.s32 s14, $0x1FFF  }
0xe: {  	s14 =	smov.u32 @p1 s2;
	p1 =	sne.s32 s11, s7  }
.Ltmp1:
0xf: {  	p0 =	slt.u32 s11, $0x2;
	(pc) =	sbr.rel @!p1 .LBB1_8-.Ltmp1, $4  }
0x10: {  	s13 =	simm.s32 @!p0 $0x2  }
0x11: {  	s15 =	sadd.s32 $0x1, s11;
	_ =	swait.ge @!p0 [sflag:s13], $0x4000  }
0x12: {  	s12 =	smov.u32 s10;
	s9 =	sadd.s32 $0x8000, s9;
	[sflag:s13] =	ssyncset.done @!p0 $0x0  }
0x13: {  	s11 =	smov.u32 s15;
	s10 =	smov.u32 s14;
	[sflag:s13] =	ssyncadd.s32 @!p0 $0xFFFFC000  }
.LBB1_1:
0x14: {  	p0 =	sge.u32 s11, s6  }
0x15: {  	s13 =	sxor.u32 @!p0 $0xFFFFFFFF, s11  }
0x16: {  	s31 =	sadd.s32 $0xFFFFFFFF, s11;
	s14 =	sshll.u32 @!p0 s10, $0x7;
	s13 =	sshll.u32 @!p0 s13, $0xE  }
0x17: {  	s15 =	simm.s32 @!p0 $0x0;
	s14 =	sadd.s32 @!p0 s3, s14;
	s13 =	sand.u32 @!p0 $0x4000, s13  }
0x18: {  	[tilespmem:s13], [sflag:$0x1] =	stream.linear.gather @!p0 [hbm4b:s14+s15], $0x4000, $0x38;
	[tilespmem:$0x10000] =	vst v63  }
0x19: {  	p0 =	sge.u32 s31, s6  }
.Ltmp2:
0x1a: {  	_ = 	snop;
	(pc) =	sbr.rel @p0 .LBB1_7-.Ltmp2, $1  }
0x1b: {  	_ =	sdelay $0x3  }
0x1c: {  	s13 =	sshrl.u32 s9, $0x1;
	_ =	swait.ge [sflag:s5], $0x4000  }
0x1d: {  	s15 =	sshll.u32 s11, $0xE;
	s16 =	simm.s32 $0x0;
	s14 =	sand.u32 $0x4000, s13  }
0x1e: {  	[sflag:s5] =	ssyncset.done $0x0;
	s15 =	sand.u32 $0x4000, s15;
	s13 =	sor.u32 $0x200, s14  }
0x1f: {  	s14 =	sor.u32 $0x8080, s14;
	[sflag:s5] =	ssyncadd.s32 $0xFFFFC000;
	s15 =	sor.u32 $0x8000, s15  }
.LBB1_3:
0x20: {  	v0 =	vld [tilespmem:s13+$0xFFFFFE70]  }
0x21: {  	v1 =	vld [tilespmem:s13+$0x70]  }
0x22: {  	v2 =	vld [tilespmem:s13+$0x0]  }
0x23: {  	v3 =	vld [tilespmem:s13+$0xFFFFFE10]  }
0x24: {  	v4 =	vld [tilespmem:s13+$0x10]  }
0x25: {  	v5 =	vld [tilespmem:s13+$0xFFFFFE20]  }
0x26: {  	v7 =	vld [tilespmem:s13+$0x20]  }
0x27: {  	v11 =	vld [tilespmem:s13+$0x30];
	v6 =	vunpack.i.l.s16.s32 v0;
	v8 =	vunpack.i.u.s16.s32 v0;
	v9 =	vunpack.i.u.s16.s32 v1  }
0x28: {  	v10 =	vunpack.i.l.s16.s32 v1;
	v0 =	vunpack.i.u.s16.s32 v2;
	v1 =	vunpack.i.l.s16.s32 v2;
	v2 =	vld [tilespmem:s13+$0xFFFFFE30]  }
0x29: {  	v8 =	vpack.i.b32.b16 v9, v8;
	v9 =	vunpack.i.u.s16.s32 v3;
	v3 =	vunpack.i.l.s16.s32 v3  }
0x2a: {  	v12 =	vld [tilespmem:s13+$0xFFFFFE40];
	v6 =	vpack.i.b32.b16 v10, v6;
	[tilespmem:s14+$0x70] =	vst v8;
	v8 =	vunpack.i.u.s16.s32 v4;
	v4 =	vunpack.i.l.s16.s32 v4  }
0x2b: {  	v13 =	vld [tilespmem:s13+$0x40];
	v10 =	vunpack.i.u.s16.s32 v5;
	v5 =	vunpack.i.l.s16.s32 v5;
	[tilespmem:s14+$0xFFFFFFF0] =	vst v6;
	v3 =	vpack.i.b32.b16 v4, v3  }
0x2c: {  	v6 =	vunpack.i.l.s16.s32 v7;
	v4 =	vld [tilespmem:s13+$0xFFFFFE50];
	[tilespmem:s14+$0xFFFFFF90] =	vst v3;
	v3 =	vpack.i.b32.b16 v8, v9;
	v8 =	vunpack.i.u.s16.s32 v7  }
0x2d: {  	v7 =	vunpack.i.l.s16.s32 v11;
	[tilespmem:s14+$0x10] =	vst v3;
	v3 =	vpack.i.b32.b16 v6, v5;
	v9 =	vunpack.i.u.s16.s32 v2;
	v6 =	vld [tilespmem:s13+$0x50]  }
0x2e: {  	v5 =	vunpack.i.l.s16.s32 v2;
	v2 =	vld [tilespmem:s13+$0xFFFFFE60];
	[tilespmem:s14+$0xFFFFFFA0] =	vst v3;
	v3 =	vpack.i.b32.b16 v8, v10;
	v10 =	vunpack.i.u.s16.s32 v11  }
0x2f: {  	s19 =	simm.s32 $0x0;
	v11 =	vpack.i.b32.b16 v7, v5;
	v7 =	vunpack.i.u.s16.s32 v12;
	v8 =	vunpack.i.l.s16.s32 v12;
	[tilespmem:s14+$0x20] =	vst v3;
	v3 =	vld [tilespmem:s13+$0x60]  }
0x30: {  	s20 =	sadd.s32 $0x80, s13;
	s18 =	smov.u32 s14;
	s17 =	smov.u32 s14;
	v5 =	vld [tilespmem:s13+$0xFFFFFE00];
	[tilespmem:s14+$0xFFFFFFB0] =	vst v11;
	v10 =	vpack.i.b32.b16 v10, v9;
	v9 =	vunpack.i.u.s16.s32 v13;
	v11 =	vunpack.i.l.s16.s32 v13  }
.LBB1_4:
0x31: {  	v12 =	vld [tilespmem:s20+$0xFFFFFE70];
	[tilespmem:s18+$0x30] =	vst v10;
	v8 =	vpack.i.b32.b16 v11, v8;
	v10 =	vunpack.i.u.s16.s32 v4;
	v4 =	vunpack.i.l.s16.s32 v4  }
0x32: {  	s19 =	sadd.s32 $0x2, s19;
	v7 =	vpack.i.b32.b16 v9, v7;
	v11 =	vld [tilespmem:s20+$0x70];
	[tilespmem:s18+$0xFFFFFFC0] =	vst v8;
	v8 =	vunpack.i.u.s16.s32 v6;
	v6 =	vunpack.i.l.s16.s32 v6  }
0x33: {  	p0 =	slt.u32 s19, $0x6;
	v9 =	vld [tilespmem:s20+$0x0];
	[tilespmem:s18+$0x40] =	vst v7;
	v4 =	vpack.i.b32.b16 v6, v4;
	v6 =	vunpack.i.u.s16.s32 v2;
	v2 =	vunpack.i.l.s16.s32 v2  }
0x34: {  	v7 =	vld [tilespmem:s20+$0xFFFFFE10];
	[tilespmem:s18+$0xFFFFFFD0] =	vst v4;
	v4 =	vpack.i.b32.b16 v8, v10;
	v8 =	vunpack.i.u.s16.s32 v3;
	v3 =	vunpack.i.l.s16.s32 v3  }
0x35: {  	v10 =	vld [tilespmem:s20+$0x10];
	v13 =	vunpack.i.u.s16.s32 v5;
	v5 =	vunpack.i.l.s16.s32 v5;
	[tilespmem:s18+$0x50] =	vst v4;
	v2 =	vpack.i.b32.b16 v3, v2  }
0x36: {  	v3 =	vld [tilespmem:s20+$0xFFFFFE20];
	v4 =	vunpack.i.l.s16.s32 v12;
	v1 =	vpack.i.b32.b16 v1, v5;
	v5 =	vpack.i.b32.b16 v0, v13;
	[tilespmem:s18+$0xFFFFFFE0] =	vst v2  }
0x37: {  	v12 =	vunpack.i.u.s16.s32 v12;
	v2 =	vld [tilespmem:s20+$0x20];
	v13 =	vunpack.i.u.s16.s32 v11;
	v11 =	vunpack.i.l.s16.s32 v11;
	[tilespmem:s18+$0xFFFFFF80] =	vst v1  }
0x38: {  	s18 =	sadd.s32 $0x100, s18;
	v0 =	vunpack.i.u.s16.s32 v9;
	v1 =	vunpack.i.l.s16.s32 v9;
	v9 =	vld [tilespmem:s20+$0xFFFFFE30];
	v12 =	vpack.i.b32.b16 v13, v12;
	[tilespmem:s17+$0x0] =	vst v5  }
0x39: {  	v6 =	vpack.i.b32.b16 v8, v6;
	v5 =	vunpack.i.u.s16.s32 v7;
	v7 =	vunpack.i.l.s16.s32 v7;
	v13 =	vld [tilespmem:s20+$0x30];
	[tilespmem:s18+$0x70] =	vst v12  }
0x3a: {  	v4 =	vpack.i.b32.b16 v11, v4;
	v8 =	vunpack.i.u.s16.s32 v10;
	v10 =	vunpack.i.l.s16.s32 v10;
	v12 =	vld [tilespmem:s20+$0xFFFFFE40];
	[tilespmem:s17+$0x60] =	vst v6;
	s17 =	smov.u32 s18  }
0x3b: {  	v6 =	vpack.i.b32.b16 v10, v7;
	v7 =	vunpack.i.u.s16.s32 v3;
	v3 =	vunpack.i.l.s16.s32 v3;
	v11 =	vld [tilespmem:s20+$0x40];
	[tilespmem:s18+$0xFFFFFFF0] =	vst v4  }
.Ltmp3:
0x3c: {  	v5 =	vpack.i.b32.b16 v8, v5;
	[tilespmem:s18+$0xFFFFFF90] =	vst v6;
	v8 =	vunpack.i.u.s16.s32 v2;
	v2 =	vunpack.i.l.s16.s32 v2;
	v4 =	vld [tilespmem:s20+$0xFFFFFE50];
	(pc) =	sbr.rel @p0 .LBB1_4-.Ltmp3, $4  }
0x3d: {  	[tilespmem:s18+$0x10] =	vst v5;
	v2 =	vpack.i.b32.b16 v2, v3;
	v10 =	vunpack.i.u.s16.s32 v9;
	v3 =	vunpack.i.l.s16.s32 v9;
	v6 =	vld [tilespmem:s20+$0x50]  }
0x3e: {  	v5 =	vpack.i.b32.b16 v8, v7;
	[tilespmem:s18+$0xFFFFFFA0] =	vst v2;
	v9 =	vunpack.i.u.s16.s32 v13;
	v7 =	vunpack.i.l.s16.s32 v13;
	v2 =	vld [tilespmem:s20+$0xFFFFFE60]  }
0x3f: {  	[tilespmem:s18+$0x20] =	vst v5;
	v13 =	vpack.i.b32.b16 v7, v3;
	v7 =	vunpack.i.u.s16.s32 v12;
	v8 =	vunpack.i.l.s16.s32 v12;
	v3 =	vld [tilespmem:s20+$0x60]  }
0x40: {  	v10 =	vpack.i.b32.b16 v9, v10;
	v5 =	vld [tilespmem:s20+$0xFFFFFE00];
	[tilespmem:s18+$0xFFFFFFB0] =	vst v13;
	v9 =	vunpack.i.u.s16.s32 v11;
	v11 =	vunpack.i.l.s16.s32 v11;
	s20 =	sadd.s32 $0x80, s20  }
0x41: {  	[tilespmem:s18+$0x30] =	vst v10;
	v8 =	vpack.i.b32.b16 v11, v8  }
0x42: {  	v51 =	vunpack.i.l.s16.s32 v4;
	v7 =	vpack.i.b32.b16 v9, v7;
	[tilespmem:s18+$0xFFFFFFC0] =	vst v8;
	v52 =	vunpack.i.l.s16.s32 v6  }
0x43: {  	v53 =	vunpack.i.u.s16.s32 v4;
	s16 =	sadd.s32 $0x1, s16;
	v54 =	vunpack.i.u.s16.s32 v6;
	[tilespmem:s18+$0x40] =	vst v7;
	v55 =	vpack.i.b32.b16 v52, v51  }
0x44: {  	p0 =	sne.s32 s16, $0x10;
	v56 =	vunpack.i.l.s16.s32 v2;
	v4 =	vpack.i.b32.b16 v54, v53;
	[tilespmem:s18+$0xFFFFFFD0] =	vst v55;
	v57 =	vunpack.i.l.s16.s32 v3  }
.Ltmp4:
0x45: {  	[tilespmem:s18+$0x50] =	vst v4;
	v58 =	vunpack.i.l.s16.s32 v5;
	v59 =	vpack.i.b32.b16 v57, v56;
	(pc) =	sbr.rel @p0 .LBB1_3-.Ltmp4, $4  }
0x46: {  	v61 =	vunpack.i.u.s16.s32 v2;
	v62 =	vunpack.i.u.s16.s32 v3;
	v1 =	vpack.i.b32.b16 v1, v58;
	[tilespmem:s18+$0xFFFFFFE0] =	vst v59  }
0x47: {  	v60 =	vunpack.i.u.s16.s32 v5;
	v63 =	vpack.i.b32.b16 v62, v61;
	[tilespmem:s18+$0xFFFFFF80] =	vst v1  }
0x48: {  	v0 =	vpack.i.b32.b16 v0, v60;
	[tilespmem:s17+$0x60] =	vst v63  }
0x49: {  	s13 =	sadd.s32 $0x400, s13;
	s14 =	sadd.s32 $0x400, s14;
	[tilespmem:s17+$0x0] =	vst v0  }
.Ltmp5:
0x4a: {  	(pc) =	sbr.rel .LBB1_7-.Ltmp5, $4  }
0x4b: {  	_ = 	snop  }
0x4c: {  	s12 =	sshll.u32 s12, $0x7  }
0x4d: {  	s12 =	sadd.s32 s4, s12  }
0x4e: {  	[hbm4b:s12+s8] =	stream.linear.scatter [tilespmem:s15], [sflag:$0x2], $0x4000, $0x38;
	[tilespmem:$0x10000] =	vst v63  }
.LBB1_8:
0x4f: {  	_ =	sfence.sel $0x180000  }
0x50: {  	s2 =	simm.s32 $0x1;
	[bflag:$0x0] =	sbarrier.arrive $0xFFFF  }
0x51: {  	s31 =	simm.s32 $0x2;
	[sflag:s2] =	ssyncpa.u1 $0x1  }
0x52: {  	[sflag:s31] =	ssyncpa.u1 $0x1  }
0x53: {  	p0 =	sne.s32 s0, $0x0;
	_ =	strace $0x90000053  }
0x54: {  	s0 =	sadd.s32 @!p0 $0x100000, s1;
	[bflag:$0x2] =	sbarrier.arrive $0xFFFF  }
0x55: {  	[sflag:s0] =	ssyncadd.tile.s32 @!p0 $0x1;
	_ =	shalt  }
.Lfunc_end1:
_tile_overlayer_lowered:
.L_overlay_start_2:
0x56: {  	(tag) =	ssettag $0x2  }
0x57: {  	s0 =	rddreg [dreg:$0x0];
	s2 =	stileid.u32  }
0x58: {  	s1 =	rddreg [dreg:$0x1];
	p0 =	sne.s32 s2, $0x0  }
0x59: {  	s3 =	rddreg [dreg:$0x2];
	[bflag:$0x3] =	sbarrier.arrive $0xFFFF;
	s2 =	simm.s32 @!p0 $0x1C01  }
0x5a: {  	[timem:s3], [sflag:s2] =	dma.local @!p0 [hbm:s0], s1  }
0x5b: {  	s0 =	simm.s32 @!p0 $0x1  }
0x5c: {  	_ =	swait.ge @!p0 [sflag:s0], s1  }
0x5d: {  	s1 =	ssub.s32 @!p0 $0x0, s1;
	[sflag:s0] =	ssyncset.done @!p0 $0x0  }
0x5e: {  	[sflag:s0] =	ssyncadd.s32 @!p0 s1  }
0x5f: {  	[bflag:$0x3] =	sbarrier.arrive $0xFFFF  }
0x60: {  	_ =	shalt  }

</sc_bundles>
